<compile_context>
chip_gen: v7x
topology: tpu7x:2x2x1
jax: 0.10.2.dev20260603
libtpu: 0.0.44.dev20260713+nightly
codegen_flags: <defaults>
</compile_context>

<pallas_src>
import jax
import jax.numpy as jnp
from jax import lax
from jax.experimental import pallas as pl
from jax.experimental.pallas import tpu as pltpu
from jax.experimental.pallas import tpu_sc as plsc

N = 10000
D = 128
H = 128
S = 64
BH = 32

NC = 2
NS = 16
GB = 128
CH = 16
BLK_T0 = 128
BLK_T1 = 32
NCH0 = BLK_T0 // CH
NCH1 = BLK_T1 // CH
CORE0_BLKS = NS * BLK_T0
TOT_BLKS = NS * (BLK_T0 + BLK_T1)
E_PAD = TOT_BLKS * GB
NP = 10240
ROWS_PER_TILE = NP // NS

TC_BLK = 1024
TC_STEPS = NP // TC_BLK


def _sc_edge_body(x_hbm, src_hbm, dst_hbm, out_hbm, outd_hbm,
                  src_idx, dst_idx, rows0, deg, acc, sg):
    c = lax.axis_index("c")
    s = lax.axis_index("s")
    zeros16 = jnp.zeros((16,), jnp.float32)
    ones16 = jnp.full((16,), 1.0, jnp.float32)

    @pl.loop(0, GB)
    def _zrow(j):
        for k in range(H // 16):
            rows0[j, pl.ds(k * 16, 16)] = zeros16

    @pl.loop(0, NP // GB)
    def _zdeg(j):
        for k in range(GB // 16):
            deg[j, pl.ds(k * 16, 16)] = zeros16

    for r in range(ROWS_PER_TILE // GB):
        pltpu.sync_copy(rows0, acc.at[pl.ds(s * ROWS_PER_TILE + r * GB, GB)])

    blk_base = jnp.where(c == 0, s * BLK_T0, CORE0_BLKS + s * BLK_T1)
    nch = jnp.where(c == 0, NCH0, NCH1)
    plsc.subcore_barrier()

    @pl.loop(0, nch)
    def _chunk(ch):
        pltpu.sync_copy(src_hbm.at[pl.ds(blk_base + ch * CH, CH)], src_idx)
        pltpu.sync_copy(dst_hbm.at[pl.ds(blk_base + ch * CH, CH)], dst_idx)

        @pl.loop(0, CH)
        def _blk(jj):
            cp = pltpu.async_copy(x_hbm.at[src_idx.at[jj]], rows0, sg)
            for k in range(GB // 16):
                vals = dst_idx[jj, pl.ds(k * 16, 16)]
                plsc.addupdate_scatter(deg, [vals >> 7, vals & 127], ones16)
            cp.wait()
            pltpu.sync_copy(rows0, acc.at[dst_idx.at[jj]], add=True)

    plsc.subcore_barrier()
    pltpu.sync_copy(acc.at[pl.ds(s * ROWS_PER_TILE, ROWS_PER_TILE)],
                    out_hbm.at[c].at[pl.ds(s * ROWS_PER_TILE, ROWS_PER_TILE)])
    pltpu.sync_copy(deg, outd_hbm.at[c].at[s])


def _tc_tail_body(acc_ref, deg_ref, wg_ref, bg_ref, lns_ref, lnb_ref,
                  wp_ref, bp_ref, wv_ref, bv_ref,
                  logits_ref, value_ref, psum):
    i = pl.program_id(0)
    st = acc_ref[0] + acc_ref[1]
    deg = jnp.sum(deg_ref[...], axis=(0, 1)).reshape(TC_BLK, 1)
    aw = st / jnp.maximum(deg, 1.0)
    h = jnp.dot(aw, wg_ref[...], preferred_element_type=jnp.float32) + bg_ref[...]
    h = jnp.maximum(h, 0.0)
    row_id = i * TC_BLK + lax.broadcasted_iota(jnp.int32, (TC_BLK, 1), 0)
    h = jnp.where(row_id < N, h, 0.0)
    part = jnp.sum(h, axis=0, keepdims=True)

    @pl.when(i == 0)
    def _init():
        psum[...] = part

    @pl.when(i > 0)
    def _accum():
        psum[...] = psum[...] + part

    @pl.when(i == TC_STEPS - 1)
    def _finish():
        pooled = psum[...] * (1.0 / N)
        mu = jnp.mean(pooled, axis=1, keepdims=True)
        var = jnp.mean((pooled - mu) ** 2, axis=1, keepdims=True)
        nrm = (pooled - mu) / jnp.sqrt(var + 1e-5) * lns_ref[...] + lnb_ref[...]
        logits_ref[...] = (
            jnp.dot(nrm, wp_ref[...], preferred_element_type=jnp.float32)
            + bp_ref[...])
        value_ref[...] = (
            jnp.dot(nrm, wv_ref[...], preferred_element_type=jnp.float32)
            + bv_ref[...])


def kernel(x, edge_index, batch, W_gnn, b_gnn, ln_scale, ln_bias,
           W_pol, b_pol, W_val, b_val):
    f32 = jnp.float32
    n_pad = E_PAD - edge_index.shape[1]
    pad_dst = N + (jnp.arange(n_pad, dtype=jnp.int32) % 128)
    src = jnp.concatenate([edge_index[0], jnp.zeros((n_pad,), jnp.int32)])
    dst = jnp.concatenate([edge_index[1], pad_dst])
    src2d = src.reshape(TOT_BLKS, GB)
    dst2d = dst.reshape(TOT_BLKS, GB)

    sc_edge = pl.kernel(
        _sc_edge_body,
        out_type=[
            jax.ShapeDtypeStruct((NC, NP, H), f32),
            jax.ShapeDtypeStruct((NC, NS, NP // GB, GB), f32),
        ],
        mesh=plsc.VectorSubcoreMesh(
            core_axis_name="c", subcore_axis_name="s",
            num_cores=NC, num_subcores=NS),
        compiler_params=pltpu.CompilerParams(needs_layout_passes=False),
        scratch_types=[
            pltpu.VMEM((CH, GB), jnp.int32),
            pltpu.VMEM((CH, GB), jnp.int32),
            pltpu.VMEM((GB, H), f32),
            pltpu.VMEM((NP // GB, GB), f32),
            pltpu.VMEM_SHARED((NP, H), f32),
            pltpu.SemaphoreType.DMA,
        ],
    )
    acc2, deg2 = sc_edge(x, src2d, dst2d)
    deg2 = deg2.reshape(NC, NS, NP)

    grid = (TC_STEPS,)
    logits2d, value2d = pl.pallas_call(
        _tc_tail_body,
        grid=grid,
        in_specs=[
            pl.BlockSpec((NC, TC_BLK, H), lambda i: (0, i, 0)),
            pl.BlockSpec((NC, NS, TC_BLK), lambda i: (0, 0, i)),
            pl.BlockSpec((H, H), lambda i: (0, 0)),
            pl.BlockSpec((1, H), lambda i: (0, 0)),
            pl.BlockSpec((1, H), lambda i: (0, 0)),
            pl.BlockSpec((1, H), lambda i: (0, 0)),
            pl.BlockSpec((H, S * BH), lambda i: (0, 0)),
            pl.BlockSpec((1, S * BH), lambda i: (0, 0)),
            pl.BlockSpec((H, 1), lambda i: (0, 0)),
            pl.BlockSpec((1, 1), lambda i: (0, 0)),
        ],
        out_specs=[
            pl.BlockSpec((1, S * BH), lambda i: (0, 0)),
            pl.BlockSpec((1, 1), lambda i: (0, 0)),
        ],
        out_shape=[
            jax.ShapeDtypeStruct((1, S * BH), f32),
            jax.ShapeDtypeStruct((1, 1), f32),
        ],
        scratch_shapes=[pltpu.VMEM((1, H), f32)],
    )(acc2, deg2, W_gnn, b_gnn.reshape(1, H), ln_scale.reshape(1, H),
      ln_bias.reshape(1, H), W_pol, b_pol.reshape(1, S * BH),
      W_val, b_val.reshape(1, 1))

    logits = logits2d.reshape(1, S, BH)
    value = value2d.reshape(1)
    return (logits, value)

# --- scband reference (transcript-rebuilt; emitter-appended) ---
"""Pipeline reference for scband-gnnpolicy-75617194213821 (READ-ONLY COPY).

The authoritative reference and input builder live on the scoring server;
editing this copy changes nothing except your own understanding.
"""

import jax, jax.numpy as jnp
import numpy as np

N = 10000
E = 320000
D = 128
H = 128
S = 64
BH = 32
NUM_GRAPHS = 1


def setup_inputs(seed: int = 0) -> dict:
    key = jax.random.key(seed)
    ks = jax.random.split(key, 8)
    x = jax.random.normal(ks[0], (N, D), dtype=jnp.float32)
    edge_index = jax.random.randint(ks[1], (2, E), 0, N)
    batch = jnp.zeros((N,), dtype=jnp.int32)
    # synthesized GNN backbone params (one mean-aggregation MP layer -> hidden)
    W_gnn = jax.random.normal(ks[2], (D, H), dtype=jnp.float32) * (1.0 / np.sqrt(D))
    b_gnn = jnp.zeros((H,), dtype=jnp.float32)
    # backbone_norm (LayerNorm over output_dim = hidden_channels)
    ln_scale = jnp.ones((H,), dtype=jnp.float32)
    ln_bias = jnp.zeros((H,), dtype=jnp.float32)
    # policy head: Linear(H, S*B), xavier with gain 0.001
    W_pol = jax.random.normal(ks[3], (H, S * BH), dtype=jnp.float32) * 0.001 * np.sqrt(2.0 / (H + S * BH))
    b_pol = jnp.zeros((S * BH,), dtype=jnp.float32)
    # value head: Linear(H, 1)
    W_val = jax.random.normal(ks[4], (H, 1), dtype=jnp.float32) * 0.001 * np.sqrt(2.0 / (H + 1))
    b_val = jnp.zeros((1,), dtype=jnp.float32)
    return {"x": x, "edge_index": edge_index, "batch": batch, "W_gnn": W_gnn, "b_gnn": b_gnn, "ln_scale": ln_scale, "ln_bias": ln_bias, "W_pol": W_pol, "b_pol": b_pol, "W_val": W_val, "b_val": b_val}


def reference(x, edge_index, batch, W_gnn, b_gnn, ln_scale, ln_bias, W_pol, b_pol, W_val, b_val):
    src = edge_index[0]
    dst = edge_index[1]
    # backbone.get_hidden_state: message passing (gather src -> scatter-add dst, mean-normalized)
    msgs = jnp.take(x, src, axis=0)
    agg = jax.ops.segment_sum(msgs, dst, num_segments=N)
    deg = jax.ops.segment_sum(jnp.ones((E,), jnp.float32), dst, num_segments=N)
    agg = agg / jnp.maximum(deg, 1.0)[:, None]
    h_nodes = jax.nn.relu(agg @ W_gnn + b_gnn)
    # global mean pool per-graph via batch ids
    pooled = jax.ops.segment_sum(h_nodes, batch, num_segments=NUM_GRAPHS)
    counts = jax.ops.segment_sum(jnp.ones((N,), jnp.float32), batch, num_segments=NUM_GRAPHS)
    h = pooled / jnp.maximum(counts, 1.0)[:, None]
    # backbone_norm (LayerNorm)
    mu = jnp.mean(h, axis=-1, keepdims=True)
    var = jnp.var(h, axis=-1, keepdims=True)
    h = (h - mu) / jnp.sqrt(var + 1e-5) * ln_scale + ln_bias
    # policy head
    logits = (h @ W_pol + b_pol).reshape(-1, S, BH)
    # value head
    value = (h @ W_val + b_val).squeeze(-1)
    return (logits, value)

if __name__ == "__main__":
    import jax
    _d = setup_inputs()
    print(jax.jit(kernel)(*tuple(_d.values())))

</pallas_src>

<mosaic_0001>
#map = affine_map<(d0, d1) -> (0, 0)>
#map1 = affine_map<(d0, d1) -> (0, 0, 0)>
#map2 = affine_map<(d0, d1) -> (0, 0, 0, 0)>
module attributes {stable_mosaic.version = 14 : i64} {
  func.func @_sc_edge_body(%arg0: i32, %arg1: i32, %arg2: memref<10000x128xf32, #tpu.memory_space<hbm>>, %arg3: memref<2560x128xi32, #tpu.memory_space<hbm>>, %arg4: memref<2560x128xi32, #tpu.memory_space<hbm>>, %arg5: memref<2x10240x128xf32, #tpu.memory_space<hbm>>, %arg6: memref<2x16x80x128xf32, #tpu.memory_space<hbm>>, %arg7: memref<16x128xi32, #tpu.memory_space<vmem>>, %arg8: memref<16x128xi32, #tpu.memory_space<vmem>>, %arg9: memref<128x128xf32, #tpu.memory_space<vmem>>, %arg10: memref<80x128xf32, #tpu.memory_space<vmem>>, %arg11: memref<10240x128xf32, #tpu.memory_space<vmem_shared>>, %arg12: memref<!tpu.dma_semaphore, #tpu.memory_space<semaphore_mem>>) attributes {dimension_semantics = [#tpu.dimension_semantics<core_parallel>, #tpu.dimension_semantics<subcore_parallel>], iteration_bounds = array<i64: 2, 16>, scalar_prefetch = 0 : i64, scratch_operands = 6 : i64, tpu.core_type = #tpu.core_type<sc_vector_subcore>, window_params = [{transform_indices = #map}, {transform_indices = #map}, {transform_indices = #map}, {transform_indices = #map1}, {transform_indices = #map2}]} {
    %broadcast_in_dim3A = arith.constant 0.000000e+00 : f32
    %broadcast_in_dim3A_0 = vector.broadcast %broadcast_in_dim3A : f32 to vector<16xf32>
    %broadcast_in_dim3A_1 = arith.constant 1.000000e+00 : f32
    %broadcast_in_dim3A_2 = vector.broadcast %broadcast_in_dim3A_1 : f32 to vector<16xf32>
    %scan3A = arith.constant 0 : i32
    %scan3A_3 = arith.constant 128 : i32
    %scan3A_4 = arith.addi %scan3A, %scan3A_3 : i32
    %scan3A_5 = arith.constant 1 : i32
    scf.for %scan3A_62 = %scan3A to %scan3A_4 step %scan3A_5  : i32 {
      %mul3A_63 = arith.constant 1 : i32
      %mul3A_64 = arith.muli %scan3A_62, %mul3A_63 : i32
      %add3A_65 = arith.constant 0 : i32
      %add3A_66 = arith.addi %add3A_65, %mul3A_64 : i32
      %swap3A = arith.index_cast %add3A_66 : i32 to index
      %swap3A_67 = arith.constant 0 : index
      %swap3A_68 = tpu.vector_load %arg9[%swap3A, %swap3A_67] {strides = array<i32>} : memref<128x128xf32, #tpu.memory_space<vmem>>, vector<16xf32>,
      tpu.vector_store %arg9[%swap3A, %swap3A_67], %broadcast_in_dim3A_0 {strides = array<i32>} : memref<128x128xf32, #tpu.memory_space<vmem>>, vector<16xf32>,
      %swap3A_69 = arith.index_cast %add3A_66 : i32 to index
      %swap3A_70 = arith.constant 16 : index
      %swap3A_71 = tpu.vector_load %arg9[%swap3A_69, %swap3A_70] {strides = array<i32>} : memref<128x128xf32, #tpu.memory_space<vmem>>, vector<16xf32>,
      tpu.vector_store %arg9[%swap3A_69, %swap3A_70], %broadcast_in_dim3A_0 {strides = array<i32>} : memref<128x128xf32, #tpu.memory_space<vmem>>, vector<16xf32>,
      %swap3A_72 = arith.index_cast %add3A_66 : i32 to index
      %swap3A_73 = arith.constant 32 : index
      %swap3A_74 = tpu.vector_load %arg9[%swap3A_72, %swap3A_73] {strides = array<i32>} : memref<128x128xf32, #tpu.memory_space<vmem>>, vector<16xf32>,
      tpu.vector_store %arg9[%swap3A_72, %swap3A_73], %broadcast_in_dim3A_0 {strides = array<i32>} : memref<128x128xf32, #tpu.memory_space<vmem>>, vector<16xf32>,
      %swap3A_75 = arith.index_cast %add3A_66 : i32 to index
      %swap3A_76 = arith.constant 48 : index
      %swap3A_77 = tpu.vector_load %arg9[%swap3A_75, %swap3A_76] {strides = array<i32>} : memref<128x128xf32, #tpu.memory_space<vmem>>, vector<16xf32>,
      tpu.vector_store %arg9[%swap3A_75, %swap3A_76], %broadcast_in_dim3A_0 {strides = array<i32>} : memref<128x128xf32, #tpu.memory_space<vmem>>, vector<16xf32>,
      %swap3A_78 = arith.index_cast %add3A_66 : i32 to index
      %swap3A_79 = arith.constant 64 : index
      %swap3A_80 = tpu.vector_load %arg9[%swap3A_78, %swap3A_79] {strides = array<i32>} : memref<128x128xf32, #tpu.memory_space<vmem>>, vector<16xf32>,
      tpu.vector_store %arg9[%swap3A_78, %swap3A_79], %broadcast_in_dim3A_0 {strides = array<i32>} : memref<128x128xf32, #tpu.memory_space<vmem>>, vector<16xf32>,
      %swap3A_81 = arith.index_cast %add3A_66 : i32 to index
      %swap3A_82 = arith.constant 80 : index
      %swap3A_83 = tpu.vector_load %arg9[%swap3A_81, %swap3A_82] {strides = array<i32>} : memref<128x128xf32, #tpu.memory_space<vmem>>, vector<16xf32>,
      tpu.vector_store %arg9[%swap3A_81, %swap3A_82], %broadcast_in_dim3A_0 {strides = array<i32>} : memref<128x128xf32, #tpu.memory_space<vmem>>, vector<16xf32>,
      %swap3A_84 = arith.index_cast %add3A_66 : i32 to index
      %swap3A_85 = arith.constant 96 : index
      %swap3A_86 = tpu.vector_load %arg9[%swap3A_84, %swap3A_85] {strides = array<i32>} : memref<128x128xf32, #tpu.memory_space<vmem>>, vector<16xf32>,
      tpu.vector_store %arg9[%swap3A_84, %swap3A_85], %broadcast_in_dim3A_0 {strides = array<i32>} : memref<128x128xf32, #tpu.memory_space<vmem>>, vector<16xf32>,
      %swap3A_87 = arith.index_cast %add3A_66 : i32 to index
      %swap3A_88 = arith.constant 112 : index
      %swap3A_89 = tpu.vector_load %arg9[%swap3A_87, %swap3A_88] {strides = array<i32>} : memref<128x128xf32, #tpu.memory_space<vmem>>, vector<16xf32>,
      tpu.vector_store %arg9[%swap3A_87, %swap3A_88], %broadcast_in_dim3A_0 {strides = array<i32>} : memref<128x128xf32, #tpu.memory_space<vmem>>, vector<16xf32>,
    }
    %scan3A_6 = arith.constant 128 : i32
    %scan3A_7 = arith.constant 0 : i32
    %scan3A_8 = arith.constant 80 : i32
    %scan3A_9 = arith.addi %scan3A_7, %scan3A_8 : i32
    %scan3A_10 = arith.constant 1 : i32
    scf.for %scan3A_62 = %scan3A_7 to %scan3A_9 step %scan3A_10  : i32 {
      %mul3A_63 = arith.constant 1 : i32
      %mul3A_64 = arith.muli %scan3A_62, %mul3A_63 : i32
      %add3A_65 = arith.constant 0 : i32
      %add3A_66 = arith.addi %add3A_65, %mul3A_64 : i32
      %swap3A = arith.index_cast %add3A_66 : i32 to index
      %swap3A_67 = arith.constant 0 : index
      %swap3A_68 = tpu.vector_load %arg10[%swap3A, %swap3A_67] {strides = array<i32>} : memref<80x128xf32, #tpu.memory_space<vmem>>, vector<16xf32>,
      tpu.vector_store %arg10[%swap3A, %swap3A_67], %broadcast_in_dim3A_0 {strides = array<i32>} : memref<80x128xf32, #tpu.memory_space<vmem>>, vector<16xf32>,
      %swap3A_69 = arith.index_cast %add3A_66 : i32 to index
      %swap3A_70 = arith.constant 16 : index
      %swap3A_71 = tpu.vector_load %arg10[%swap3A_69, %swap3A_70] {strides = array<i32>} : memref<80x128xf32, #tpu.memory_space<vmem>>, vector<16xf32>,
      tpu.vector_store %arg10[%swap3A_69, %swap3A_70], %broadcast_in_dim3A_0 {strides = array<i32>} : memref<80x128xf32, #tpu.memory_space<vmem>>, vector<16xf32>,
      %swap3A_72 = arith.index_cast %add3A_66 : i32 to index
      %swap3A_73 = arith.constant 32 : index
      %swap3A_74 = tpu.vector_load %arg10[%swap3A_72, %swap3A_73] {strides = array<i32>} : memref<80x128xf32, #tpu.memory_space<vmem>>, vector<16xf32>,
      tpu.vector_store %arg10[%swap3A_72, %swap3A_73], %broadcast_in_dim3A_0 {strides = array<i32>} : memref<80x128xf32, #tpu.memory_space<vmem>>, vector<16xf32>,
      %swap3A_75 = arith.index_cast %add3A_66 : i32 to index
      %swap3A_76 = arith.constant 48 : index
      %swap3A_77 = tpu.vector_load %arg10[%swap3A_75, %swap3A_76] {strides = array<i32>} : memref<80x128xf32, #tpu.memory_space<vmem>>, vector<16xf32>,
      tpu.vector_store %arg10[%swap3A_75, %swap3A_76], %broadcast_in_dim3A_0 {strides = array<i32>} : memref<80x128xf32, #tpu.memory_space<vmem>>, vector<16xf32>,
      %swap3A_78 = arith.index_cast %add3A_66 : i32 to index
      %swap3A_79 = arith.constant 64 : index
      %swap3A_80 = tpu.vector_load %arg10[%swap3A_78, %swap3A_79] {strides = array<i32>} : memref<80x128xf32, #tpu.memory_space<vmem>>, vector<16xf32>,
      tpu.vector_store %arg10[%swap3A_78, %swap3A_79], %broadcast_in_dim3A_0 {strides = array<i32>} : memref<80x128xf32, #tpu.memory_space<vmem>>, vector<16xf32>,
      %swap3A_81 = arith.index_cast %add3A_66 : i32 to index
      %swap3A_82 = arith.constant 80 : index
      %swap3A_83 = tpu.vector_load %arg10[%swap3A_81, %swap3A_82] {strides = array<i32>} : memref<80x128xf32, #tpu.memory_space<vmem>>, vector<16xf32>,
      tpu.vector_store %arg10[%swap3A_81, %swap3A_82], %broadcast_in_dim3A_0 {strides = array<i32>} : memref<80x128xf32, #tpu.memory_space<vmem>>, vector<16xf32>,
      %swap3A_84 = arith.index_cast %add3A_66 : i32 to index
      %swap3A_85 = arith.constant 96 : index
      %swap3A_86 = tpu.vector_load %arg10[%swap3A_84, %swap3A_85] {strides = array<i32>} : memref<80x128xf32, #tpu.memory_space<vmem>>, vector<16xf32>,
      tpu.vector_store %arg10[%swap3A_84, %swap3A_85], %broadcast_in_dim3A_0 {strides = array<i32>} : memref<80x128xf32, #tpu.memory_space<vmem>>, vector<16xf32>,
      %swap3A_87 = arith.index_cast %add3A_66 : i32 to index
      %swap3A_88 = arith.constant 112 : index
      %swap3A_89 = tpu.vector_load %arg10[%swap3A_87, %swap3A_88] {strides = array<i32>} : memref<80x128xf32, #tpu.memory_space<vmem>>, vector<16xf32>,
      tpu.vector_store %arg10[%swap3A_87, %swap3A_88], %broadcast_in_dim3A_0 {strides = array<i32>} : memref<80x128xf32, #tpu.memory_space<vmem>>, vector<16xf32>,
    }
    %scan3A_11 = arith.constant 80 : i32
    %mul3A = arith.constant 640 : i32
    %mul3A_12 = arith.muli %arg1, %mul3A : i32
    %add3A = arith.constant 0 : i32
    %add3A_13 = arith.addi %mul3A_12, %add3A : i32
    "tpu.region"() ({
      %run_scoped3A = tpu.sem_alloc : memref<!tpu.dma_semaphore, #tpu.memory_space<semaphore_mem>>
      %dma_start3A = arith.constant 0 : i32
      %dma_start3A_62 = tpu.memref_slice %arg11[%add3A_13, %dma_start3A] : memref<10240x128xf32, #tpu.memory_space<vmem_shared>> -> memref<128x128xf32, #tpu.memory_space<vmem_shared>>
      %dma_start3A_63 = arith.constant 0 : i32
      %dma_start3A_64 = tpu.memref_slice %arg11[%add3A_13, %dma_start3A_63] : memref<10240x128xf32, #tpu.memory_space<vmem_shared>> -> memref<128x128xf32, #tpu.memory_space<vmem_shared>>
      tpu.enqueue_dma source(%arg9 : memref<128x128xf32, #tpu.memory_space<vmem>>) target(%dma_start3A_64 : memref<128x128xf32, #tpu.memory_space<vmem_shared>>) target_semaphore(%run_scoped3A : memref<!tpu.dma_semaphore, #tpu.memory_space<semaphore_mem>>)
      %dma_wait3A = arith.constant 0 : i32
      %dma_wait3A_65 = tpu.memref_slice %arg11[%add3A_13, %dma_wait3A] : memref<10240x128xf32, #tpu.memory_space<vmem_shared>> -> memref<128x128xf32, #tpu.memory_space<vmem_shared>>
      %dma_wait3A_66 = arith.constant 0 : i32
      %dma_wait3A_67 = tpu.memref_slice %arg11[%add3A_13, %dma_wait3A_66] : memref<10240x128xf32, #tpu.memory_space<vmem_shared>> -> memref<128x128xf32, #tpu.memory_space<vmem_shared>>
      tpu.wait_dma2 semaphore(%run_scoped3A : memref<!tpu.dma_semaphore, #tpu.memory_space<semaphore_mem>>) src(%arg9 : memref<128x128xf32, #tpu.memory_space<vmem>>) dst(%dma_wait3A_67 : memref<128x128xf32, #tpu.memory_space<vmem_shared>>)
      tpu.yield
    }) : () -> ()
    %mul3A_14 = arith.constant 640 : i32
    %mul3A_15 = arith.muli %arg1, %mul3A_14 : i32
    %add3A_16 = arith.constant 128 : i32
    %add3A_17 = arith.addi %mul3A_15, %add3A_16 : i32
    "tpu.region"() ({
      %run_scoped3A = tpu.sem_alloc : memref<!tpu.dma_semaphore, #tpu.memory_space<semaphore_mem>>
      %dma_start3A = arith.constant 0 : i32
      %dma_start3A_62 = tpu.memref_slice %arg11[%add3A_17, %dma_start3A] : memref<10240x128xf32, #tpu.memory_space<vmem_shared>> -> memref<128x128xf32, #tpu.memory_space<vmem_shared>>
      %dma_start3A_63 = arith.constant 0 : i32
      %dma_start3A_64 = tpu.memref_slice %arg11[%add3A_17, %dma_start3A_63] : memref<10240x128xf32, #tpu.memory_space<vmem_shared>> -> memref<128x128xf32, #tpu.memory_space<vmem_shared>>
      tpu.enqueue_dma source(%arg9 : memref<128x128xf32, #tpu.memory_space<vmem>>) target(%dma_start3A_64 : memref<128x128xf32, #tpu.memory_space<vmem_shared>>) target_semaphore(%run_scoped3A : memref<!tpu.dma_semaphore, #tpu.memory_space<semaphore_mem>>)
      %dma_wait3A = arith.constant 0 : i32
      %dma_wait3A_65 = tpu.memref_slice %arg11[%add3A_17, %dma_wait3A] : memref<10240x128xf32, #tpu.memory_space<vmem_shared>> -> memref<128x128xf32, #tpu.memory_space<vmem_shared>>
      %dma_wait3A_66 = arith.constant 0 : i32
      %dma_wait3A_67 = tpu.memref_slice %arg11[%add3A_17, %dma_wait3A_66] : memref<10240x128xf32, #tpu.memory_space<vmem_shared>> -> memref<128x128xf32, #tpu.memory_space<vmem_shared>>
      tpu.wait_dma2 semaphore(%run_scoped3A : memref<!tpu.dma_semaphore, #tpu.memory_space<semaphore_mem>>) src(%arg9 : memref<128x128xf32, #tpu.memory_space<vmem>>) dst(%dma_wait3A_67 : memref<128x128xf32, #tpu.memory_space<vmem_shared>>)
      tpu.yield
    }) : () -> ()
    %mul3A_18 = arith.constant 640 : i32
    %mul3A_19 = arith.muli %arg1, %mul3A_18 : i32
    %add3A_20 = arith.constant 256 : i32
    %add3A_21 = arith.addi %mul3A_19, %add3A_20 : i32
    "tpu.region"() ({
      %run_scoped3A = tpu.sem_alloc : memref<!tpu.dma_semaphore, #tpu.memory_space<semaphore_mem>>
      %dma_start3A = arith.constant 0 : i32
      %dma_start3A_62 = tpu.memref_slice %arg11[%add3A_21, %dma_start3A] : memref<10240x128xf32, #tpu.memory_space<vmem_shared>> -> memref<128x128xf32, #tpu.memory_space<vmem_shared>>
      %dma_start3A_63 = arith.constant 0 : i32
      %dma_start3A_64 = tpu.memref_slice %arg11[%add3A_21, %dma_start3A_63] : memref<10240x128xf32, #tpu.memory_space<vmem_shared>> -> memref<128x128xf32, #tpu.memory_space<vmem_shared>>
      tpu.enqueue_dma source(%arg9 : memref<128x128xf32, #tpu.memory_space<vmem>>) target(%dma_start3A_64 : memref<128x128xf32, #tpu.memory_space<vmem_shared>>) target_semaphore(%run_scoped3A : memref<!tpu.dma_semaphore, #tpu.memory_space<semaphore_mem>>)
      %dma_wait3A = arith.constant 0 : i32
      %dma_wait3A_65 = tpu.memref_slice %arg11[%add3A_21, %dma_wait3A] : memref<10240x128xf32, #tpu.memory_space<vmem_shared>> -> memref<128x128xf32, #tpu.memory_space<vmem_shared>>
      %dma_wait3A_66 = arith.constant 0 : i32
      %dma_wait3A_67 = tpu.memref_slice %arg11[%add3A_21, %dma_wait3A_66] : memref<10240x128xf32, #tpu.memory_space<vmem_shared>> -> memref<128x128xf32, #tpu.memory_space<vmem_shared>>
      tpu.wait_dma2 semaphore(%run_scoped3A : memref<!tpu.dma_semaphore, #tpu.memory_space<semaphore_mem>>) src(%arg9 : memref<128x128xf32, #tpu.memory_space<vmem>>) dst(%dma_wait3A_67 : memref<128x128xf32, #tpu.memory_space<vmem_shared>>)
      tpu.yield
    }) : () -> ()
    %mul3A_22 = arith.constant 640 : i32
    %mul3A_23 = arith.muli %arg1, %mul3A_22 : i32
    %add3A_24 = arith.constant 384 : i32
    %add3A_25 = arith.addi %mul3A_23, %add3A_24 : i32
    "tpu.region"() ({
      %run_scoped3A = tpu.sem_alloc : memref<!tpu.dma_semaphore, #tpu.memory_space<semaphore_mem>>
      %dma_start3A = arith.constant 0 : i32
      %dma_start3A_62 = tpu.memref_slice %arg11[%add3A_25, %dma_start3A] : memref<10240x128xf32, #tpu.memory_space<vmem_shared>> -> memref<128x128xf32, #tpu.memory_space<vmem_shared>>
      %dma_start3A_63 = arith.constant 0 : i32
      %dma_start3A_64 = tpu.memref_slice %arg11[%add3A_25, %dma_start3A_63] : memref<10240x128xf32, #tpu.memory_space<vmem_shared>> -> memref<128x128xf32, #tpu.memory_space<vmem_shared>>
      tpu.enqueue_dma source(%arg9 : memref<128x128xf32, #tpu.memory_space<vmem>>) target(%dma_start3A_64 : memref<128x128xf32, #tpu.memory_space<vmem_shared>>) target_semaphore(%run_scoped3A : memref<!tpu.dma_semaphore, #tpu.memory_space<semaphore_mem>>)
      %dma_wait3A = arith.constant 0 : i32
      %dma_wait3A_65 = tpu.memref_slice %arg11[%add3A_25, %dma_wait3A] : memref<10240x128xf32, #tpu.memory_space<vmem_shared>> -> memref<128x128xf32, #tpu.memory_space<vmem_shared>>
      %dma_wait3A_66 = arith.constant 0 : i32
      %dma_wait3A_67 = tpu.memref_slice %arg11[%add3A_25, %dma_wait3A_66] : memref<10240x128xf32, #tpu.memory_space<vmem_shared>> -> memref<128x128xf32, #tpu.memory_space<vmem_shared>>
      tpu.wait_dma2 semaphore(%run_scoped3A : memref<!tpu.dma_semaphore, #tpu.memory_space<semaphore_mem>>) src(%arg9 : memref<128x128xf32, #tpu.memory_space<vmem>>) dst(%dma_wait3A_67 : memref<128x128xf32, #tpu.memory_space<vmem_shared>>)
      tpu.yield
    }) : () -> ()
    %mul3A_26 = arith.constant 640 : i32
    %mul3A_27 = arith.muli %arg1, %mul3A_26 : i32
    %add3A_28 = arith.constant 512 : i32
    %add3A_29 = arith.addi %mul3A_27, %add3A_28 : i32
    "tpu.region"() ({
      %run_scoped3A = tpu.sem_alloc : memref<!tpu.dma_semaphore, #tpu.memory_space<semaphore_mem>>
      %dma_start3A = arith.constant 0 : i32
      %dma_start3A_62 = tpu.memref_slice %arg11[%add3A_29, %dma_start3A] : memref<10240x128xf32, #tpu.memory_space<vmem_shared>> -> memref<128x128xf32, #tpu.memory_space<vmem_shared>>
      %dma_start3A_63 = arith.constant 0 : i32
      %dma_start3A_64 = tpu.memref_slice %arg11[%add3A_29, %dma_start3A_63] : memref<10240x128xf32, #tpu.memory_space<vmem_shared>> -> memref<128x128xf32, #tpu.memory_space<vmem_shared>>
      tpu.enqueue_dma source(%arg9 : memref<128x128xf32, #tpu.memory_space<vmem>>) target(%dma_start3A_64 : memref<128x128xf32, #tpu.memory_space<vmem_shared>>) target_semaphore(%run_scoped3A : memref<!tpu.dma_semaphore, #tpu.memory_space<semaphore_mem>>)
      %dma_wait3A = arith.constant 0 : i32
      %dma_wait3A_65 = tpu.memref_slice %arg11[%add3A_29, %dma_wait3A] : memref<10240x128xf32, #tpu.memory_space<vmem_shared>> -> memref<128x128xf32, #tpu.memory_space<vmem_shared>>
      %dma_wait3A_66 = arith.constant 0 : i32
      %dma_wait3A_67 = tpu.memref_slice %arg11[%add3A_29, %dma_wait3A_66] : memref<10240x128xf32, #tpu.memory_space<vmem_shared>> -> memref<128x128xf32, #tpu.memory_space<vmem_shared>>
      tpu.wait_dma2 semaphore(%run_scoped3A : memref<!tpu.dma_semaphore, #tpu.memory_space<semaphore_mem>>) src(%arg9 : memref<128x128xf32, #tpu.memory_space<vmem>>) dst(%dma_wait3A_67 : memref<128x128xf32, #tpu.memory_space<vmem_shared>>)
      tpu.yield
    }) : () -> ()
    %eq3A = arith.constant 0 : i32
    %eq3A_30 = arith.cmpi eq, %arg0, %eq3A : i32
    %mul3A_31 = arith.constant 128 : i32
    %mul3A_32 = arith.muli %arg1, %mul3A_31 : i32
    %mul3A_33 = arith.constant 32 : i32
    %mul3A_34 = arith.muli %arg1, %mul3A_33 : i32
    %add3A_35 = arith.constant 2048 : i32
    %add3A_36 = arith.addi %add3A_35, %mul3A_34 : i32
    %select_n3A = arith.select %eq3A_30, %mul3A_32, %add3A_36 : i32
    %eq3A_37 = arith.constant 0 : i32
    %eq3A_38 = arith.cmpi eq, %arg0, %eq3A_37 : i32
    %jit3A = arith.constant 8 : i32
    %jit3A_39 = arith.constant 2 : i32
    %select_n3A_40 = arith.select %eq3A_38, %jit3A, %jit3A_39 : i32
    %barrier3A = arith.constant 0 : index
    tpu.barrier barrier_id(%barrier3A)
    %sub3A = arith.constant 0 : i32
    %sub3A_41 = arith.subi %select_n3A_40, %sub3A : i32
    %sub3A_42 = arith.constant 1 : i32
    %sub3A_43 = arith.constant 1 : i32
    %sub3A_44 = arith.subi %sub3A_42, %sub3A_43 : i32
    %add3A_45 = arith.addi %sub3A_41, %sub3A_44 : i32
    %div3A = arith.constant 1 : i32
    %div3A_46 = arith.divsi %add3A_45, %div3A : i32
    %while3A = arith.constant 1 : i32
    %while3A_47 = arith.constant 0 : i32
    %while3A_48 = arith.constant 0 : i32
    %while3A_49 = arith.subi %div3A_46, %while3A_48 : i32
    %while3A_50 = arith.addi %while3A_48, %while3A_49 : i32
    %while3A_51 = arith.constant 1 : i32
    %while3A_52 = arith.divsi %while3A_49, %while3A_51 : i32
    %while3A_53 = arith.muli %while3A_52, %while3A_51 : i32
    %while3A_54 = arith.addi %while3A_48, %while3A_53 : i32
    %while3A_55 = arith.constant 1 : i32
    scf.for %while3A_62 = %while3A_48 to %while3A_54 step %while3A_55  : i32 {
      %mul3A_63 = arith.muli %while3A_62, %while3A : i32
      %add3A_64 = arith.addi %while3A_47, %mul3A_63 : i32
      %mul3A_65 = arith.constant 16 : i32
      %mul3A_66 = arith.muli %add3A_64, %mul3A_65 : i32
      %add3A_67 = arith.addi %select_n3A, %mul3A_66 : i32
      "tpu.region"() ({
        %run_scoped3A = tpu.sem_alloc : memref<!tpu.dma_semaphore, #tpu.memory_space<semaphore_mem>>
        %dma_start3A = arith.constant 0 : i32
        %dma_start3A_76 = tpu.memref_slice %arg3[%add3A_67, %dma_start3A] : memref<2560x128xi32, #tpu.memory_space<hbm>> -> memref<16x128xi32, #tpu.memory_space<hbm>>
        %dma_start3A_77 = arith.constant 0 : i32
        %dma_start3A_78 = tpu.memref_slice %arg3[%add3A_67, %dma_start3A_77] : memref<2560x128xi32, #tpu.memory_space<hbm>> -> memref<16x128xi32, #tpu.memory_space<hbm>>
        tpu.enqueue_dma source(%dma_start3A_78 : memref<16x128xi32, #tpu.memory_space<hbm>>) target(%arg7 : memref<16x128xi32, #tpu.memory_space<vmem>>) target_semaphore(%run_scoped3A : memref<!tpu.dma_semaphore, #tpu.memory_space<semaphore_mem>>)
        %dma_wait3A = arith.constant 0 : i32
        %dma_wait3A_79 = tpu.memref_slice %arg3[%add3A_67, %dma_wait3A] : memref<2560x128xi32, #tpu.memory_space<hbm>> -> memref<16x128xi32, #tpu.memory_space<hbm>>
        %dma_wait3A_80 = arith.constant 0 : i32
        %dma_wait3A_81 = tpu.memref_slice %arg3[%add3A_67, %dma_wait3A_80] : memref<2560x128xi32, #tpu.memory_space<hbm>> -> memref<16x128xi32, #tpu.memory_space<hbm>>
        tpu.wait_dma2 semaphore(%run_scoped3A : memref<!tpu.dma_semaphore, #tpu.memory_space<semaphore_mem>>) src(%dma_wait3A_81 : memref<16x128xi32, #tpu.memory_space<hbm>>) dst(%arg7 : memref<16x128xi32, #tpu.memory_space<vmem>>)
        tpu.yield
      }) : () -> ()
      %mul3A_68 = arith.constant 16 : i32
      %mul3A_69 = arith.muli %add3A_64, %mul3A_68 : i32
      %add3A_70 = arith.addi %select_n3A, %mul3A_69 : i32
      "tpu.region"() ({
        %run_scoped3A = tpu.sem_alloc : memref<!tpu.dma_semaphore, #tpu.memory_space<semaphore_mem>>
        %dma_start3A = arith.constant 0 : i32
        %dma_start3A_76 = tpu.memref_slice %arg4[%add3A_70, %dma_start3A] : memref<2560x128xi32, #tpu.memory_space<hbm>> -> memref<16x128xi32, #tpu.memory_space<hbm>>
        %dma_start3A_77 = arith.constant 0 : i32
        %dma_start3A_78 = tpu.memref_slice %arg4[%add3A_70, %dma_start3A_77] : memref<2560x128xi32, #tpu.memory_space<hbm>> -> memref<16x128xi32, #tpu.memory_space<hbm>>
        tpu.enqueue_dma source(%dma_start3A_78 : memref<16x128xi32, #tpu.memory_space<hbm>>) target(%arg8 : memref<16x128xi32, #tpu.memory_space<vmem>>) target_semaphore(%run_scoped3A : memref<!tpu.dma_semaphore, #tpu.memory_space<semaphore_mem>>)
        %dma_wait3A = arith.constant 0 : i32
        %dma_wait3A_79 = tpu.memref_slice %arg4[%add3A_70, %dma_wait3A] : memref<2560x128xi32, #tpu.memory_space<hbm>> -> memref<16x128xi32, #tpu.memory_space<hbm>>
        %dma_wait3A_80 = arith.constant 0 : i32
        %dma_wait3A_81 = tpu.memref_slice %arg4[%add3A_70, %dma_wait3A_80] : memref<2560x128xi32, #tpu.memory_space<hbm>> -> memref<16x128xi32, #tpu.memory_space<hbm>>
        tpu.wait_dma2 semaphore(%run_scoped3A : memref<!tpu.dma_semaphore, #tpu.memory_space<semaphore_mem>>) src(%dma_wait3A_81 : memref<16x128xi32, #tpu.memory_space<hbm>>) dst(%arg8 : memref<16x128xi32, #tpu.memory_space<vmem>>)
        tpu.yield
      }) : () -> ()
      %scan3A_71 = arith.constant 0 : i32
      %scan3A_72 = arith.constant 16 : i32
      %scan3A_73 = arith.addi %scan3A_71, %scan3A_72 : i32
      %scan3A_74 = arith.constant 1 : i32
      scf.for %scan3A_76 = %scan3A_71 to %scan3A_73 step %scan3A_74  : i32 {
        %mul3A_77 = arith.constant 1 : i32
        %mul3A_78 = arith.muli %scan3A_76, %mul3A_77 : i32
        %add3A_79 = arith.constant 0 : i32
        %add3A_80 = arith.addi %add3A_79, %mul3A_78 : i32
        %dma_start3A = arith.constant 0 : i32
        %dma_start3A_81 = tpu.memref_slice %arg7[%add3A_80, %dma_start3A] : memref<16x128xi32, #tpu.memory_space<vmem>> -> memref<1x128xi32, #tpu.memory_space<vmem>>
        %dma_start3A_82 = tpu.memref_squeeze %dma_start3A_81 : memref<1x128xi32, #tpu.memory_space<vmem>> -> memref<128xi32, #tpu.memory_space<vmem>>
        %dma_start3A_83 = arith.constant 0 : i32
        %dma_start3A_84 = arith.constant 0 : i32
        %dma_start3A_85 = tpu.memref_slice %arg2[%dma_start3A_83, %dma_start3A_84] : memref<10000x128xf32, #tpu.memory_space<hbm>> -> memref<10000x128xf32, #tpu.memory_space<hbm>>
        tpu.enqueue_indirect_dma source(%dma_start3A_85 : memref<10000x128xf32, #tpu.memory_space<hbm>>) target(%arg9 : memref<128x128xf32, #tpu.memory_space<vmem>>) offsets(%dma_start3A_82 : memref<128xi32, #tpu.memory_space<vmem>>) semaphore(%arg12 : memref<!tpu.dma_semaphore, #tpu.memory_space<semaphore_mem>>)
        %get3A = arith.index_cast %add3A_80 : i32 to index
        %get3A_86 = arith.constant 0 : index
        %get3A_87 = tpu.vector_load %arg8[%get3A, %get3A_86] {strides = array<i32>} : memref<16x128xi32, #tpu.memory_space<vmem>>, vector<16xi32>,
        %shift_right_arithmetic3A = arith.constant 7 : i32
        %shift_right_arithmetic3A_88 = vector.broadcast %shift_right_arithmetic3A : i32 to vector<16xi32>
        %shift_right_arithmetic3A_89 = arith.shrsi %get3A_87, %shift_right_arithmetic3A_88 : vector<16xi32>
        %and3A = arith.constant 127 : i32
        %and3A_90 = vector.broadcast %and3A : i32 to vector<16xi32>
        %and3A_91 = arith.andi %get3A_87, %and3A_90 : vector<16xi32>
        tpu.vector_store_idx %arg10[%shift_right_arithmetic3A_89, %and3A_91], %broadcast_in_dim3A_2 {add = true} : memref<80x128xf32, #tpu.memory_space<vmem>>[vector<16xi32>, vector<16xi32>], vector<16xf32>,
        %get3A_92 = arith.index_cast %add3A_80 : i32 to index
        %get3A_93 = arith.constant 16 : index
        %get3A_94 = tpu.vector_load %arg8[%get3A_92, %get3A_93] {strides = array<i32>} : memref<16x128xi32, #tpu.memory_space<vmem>>, vector<16xi32>,
        %shift_right_arithmetic3A_95 = arith.constant 7 : i32
        %shift_right_arithmetic3A_96 = vector.broadcast %shift_right_arithmetic3A_95 : i32 to vector<16xi32>
        %shift_right_arithmetic3A_97 = arith.shrsi %get3A_94, %shift_right_arithmetic3A_96 : vector<16xi32>
        %and3A_98 = arith.constant 127 : i32
        %and3A_99 = vector.broadcast %and3A_98 : i32 to vector<16xi32>
        %and3A_100 = arith.andi %get3A_94, %and3A_99 : vector<16xi32>
        tpu.vector_store_idx %arg10[%shift_right_arithmetic3A_97, %and3A_100], %broadcast_in_dim3A_2 {add = true} : memref<80x128xf32, #tpu.memory_space<vmem>>[vector<16xi32>, vector<16xi32>], vector<16xf32>,
        %get3A_101 = arith.index_cast %add3A_80 : i32 to index
        %get3A_102 = arith.constant 32 : index
        %get3A_103 = tpu.vector_load %arg8[%get3A_101, %get3A_102] {strides = array<i32>} : memref<16x128xi32, #tpu.memory_space<vmem>>, vector<16xi32>,
        %shift_right_arithmetic3A_104 = arith.constant 7 : i32
        %shift_right_arithmetic3A_105 = vector.broadcast %shift_right_arithmetic3A_104 : i32 to vector<16xi32>
        %shift_right_arithmetic3A_106 = arith.shrsi %get3A_103, %shift_right_arithmetic3A_105 : vector<16xi32>
        %and3A_107 = arith.constant 127 : i32
        %and3A_108 = vector.broadcast %and3A_107 : i32 to vector<16xi32>
        %and3A_109 = arith.andi %get3A_103, %and3A_108 : vector<16xi32>
        tpu.vector_store_idx %arg10[%shift_right_arithmetic3A_106, %and3A_109], %broadcast_in_dim3A_2 {add = true} : memref<80x128xf32, #tpu.memory_space<vmem>>[vector<16xi32>, vector<16xi32>], vector<16xf32>,
        %get3A_110 = arith.index_cast %add3A_80 : i32 to index
        %get3A_111 = arith.constant 48 : index
        %get3A_112 = tpu.vector_load %arg8[%get3A_110, %get3A_111] {strides = array<i32>} : memref<16x128xi32, #tpu.memory_space<vmem>>, vector<16xi32>,
        %shift_right_arithmetic3A_113 = arith.constant 7 : i32
        %shift_right_arithmetic3A_114 = vector.broadcast %shift_right_arithmetic3A_113 : i32 to vector<16xi32>
        %shift_right_arithmetic3A_115 = arith.shrsi %get3A_112, %shift_right_arithmetic3A_114 : vector<16xi32>
        %and3A_116 = arith.constant 127 : i32
        %and3A_117 = vector.broadcast %and3A_116 : i32 to vector<16xi32>
        %and3A_118 = arith.andi %get3A_112, %and3A_117 : vector<16xi32>
        tpu.vector_store_idx %arg10[%shift_right_arithmetic3A_115, %and3A_118], %broadcast_in_dim3A_2 {add = true} : memref<80x128xf32, #tpu.memory_space<vmem>>[vector<16xi32>, vector<16xi32>], vector<16xf32>,
        %get3A_119 = arith.index_cast %add3A_80 : i32 to index
        %get3A_120 = arith.constant 64 : index
        %get3A_121 = tpu.vector_load %arg8[%get3A_119, %get3A_120] {strides = array<i32>} : memref<16x128xi32, #tpu.memory_space<vmem>>, vector<16xi32>,
        %shift_right_arithmetic3A_122 = arith.constant 7 : i32
        %shift_right_arithmetic3A_123 = vector.broadcast %shift_right_arithmetic3A_122 : i32 to vector<16xi32>
        %shift_right_arithmetic3A_124 = arith.shrsi %get3A_121, %shift_right_arithmetic3A_123 : vector<16xi32>
        %and3A_125 = arith.constant 127 : i32
        %and3A_126 = vector.broadcast %and3A_125 : i32 to vector<16xi32>
        %and3A_127 = arith.andi %get3A_121, %and3A_126 : vector<16xi32>
        tpu.vector_store_idx %arg10[%shift_right_arithmetic3A_124, %and3A_127], %broadcast_in_dim3A_2 {add = true} : memref<80x128xf32, #tpu.memory_space<vmem>>[vector<16xi32>, vector<16xi32>], vector<16xf32>,
        %get3A_128 = arith.index_cast %add3A_80 : i32 to index
        %get3A_129 = arith.constant 80 : index
        %get3A_130 = tpu.vector_load %arg8[%get3A_128, %get3A_129] {strides = array<i32>} : memref<16x128xi32, #tpu.memory_space<vmem>>, vector<16xi32>,
        %shift_right_arithmetic3A_131 = arith.constant 7 : i32
        %shift_right_arithmetic3A_132 = vector.broadcast %shift_right_arithmetic3A_131 : i32 to vector<16xi32>
        %shift_right_arithmetic3A_133 = arith.shrsi %get3A_130, %shift_right_arithmetic3A_132 : vector<16xi32>
        %and3A_134 = arith.constant 127 : i32
        %and3A_135 = vector.broadcast %and3A_134 : i32 to vector<16xi32>
        %and3A_136 = arith.andi %get3A_130, %and3A_135 : vector<16xi32>
        tpu.vector_store_idx %arg10[%shift_right_arithmetic3A_133, %and3A_136], %broadcast_in_dim3A_2 {add = true} : memref<80x128xf32, #tpu.memory_space<vmem>>[vector<16xi32>, vector<16xi32>], vector<16xf32>,
        %get3A_137 = arith.index_cast %add3A_80 : i32 to index
        %get3A_138 = arith.constant 96 : index
        %get3A_139 = tpu.vector_load %arg8[%get3A_137, %get3A_138] {strides = array<i32>} : memref<16x128xi32, #tpu.memory_space<vmem>>, vector<16xi32>,
        %shift_right_arithmetic3A_140 = arith.constant 7 : i32
        %shift_right_arithmetic3A_141 = vector.broadcast %shift_right_arithmetic3A_140 : i32 to vector<16xi32>
        %shift_right_arithmetic3A_142 = arith.shrsi %get3A_139, %shift_right_arithmetic3A_141 : vector<16xi32>
        %and3A_143 = arith.constant 127 : i32
        %and3A_144 = vector.broadcast %and3A_143 : i32 to vector<16xi32>
        %and3A_145 = arith.andi %get3A_139, %and3A_144 : vector<16xi32>
        tpu.vector_store_idx %arg10[%shift_right_arithmetic3A_142, %and3A_145], %broadcast_in_dim3A_2 {add = true} : memref<80x128xf32, #tpu.memory_space<vmem>>[vector<16xi32>, vector<16xi32>], vector<16xf32>,
        %get3A_146 = arith.index_cast %add3A_80 : i32 to index
        %get3A_147 = arith.constant 112 : index
        %get3A_148 = tpu.vector_load %arg8[%get3A_146, %get3A_147] {strides = array<i32>} : memref<16x128xi32, #tpu.memory_space<vmem>>, vector<16xi32>,
        %shift_right_arithmetic3A_149 = arith.constant 7 : i32
        %shift_right_arithmetic3A_150 = vector.broadcast %shift_right_arithmetic3A_149 : i32 to vector<16xi32>
        %shift_right_arithmetic3A_151 = arith.shrsi %get3A_148, %shift_right_arithmetic3A_150 : vector<16xi32>
        %and3A_152 = arith.constant 127 : i32
        %and3A_153 = vector.broadcast %and3A_152 : i32 to vector<16xi32>
        %and3A_154 = arith.andi %get3A_148, %and3A_153 : vector<16xi32>
        tpu.vector_store_idx %arg10[%shift_right_arithmetic3A_151, %and3A_154], %broadcast_in_dim3A_2 {add = true} : memref<80x128xf32, #tpu.memory_space<vmem>>[vector<16xi32>, vector<16xi32>], vector<16xf32>,
        %dma_wait3A = arith.constant 0 : i32
        %dma_wait3A_155 = tpu.memref_slice %arg7[%add3A_80, %dma_wait3A] : memref<16x128xi32, #tpu.memory_space<vmem>> -> memref<1x128xi32, #tpu.memory_space<vmem>>
        %dma_wait3A_156 = tpu.memref_squeeze %dma_wait3A_155 : memref<1x128xi32, #tpu.memory_space<vmem>> -> memref<128xi32, #tpu.memory_space<vmem>>
        %dma_wait3A_157 = arith.constant 0 : i32
        %dma_wait3A_158 = arith.constant 0 : i32
        %dma_wait3A_159 = tpu.memref_slice %arg2[%dma_wait3A_157, %dma_wait3A_158] : memref<10000x128xf32, #tpu.memory_space<hbm>> -> memref<10000x128xf32, #tpu.memory_space<hbm>>
        tpu.wait_indirect_dma semaphore(%arg12 : memref<!tpu.dma_semaphore, #tpu.memory_space<semaphore_mem>>) src(%dma_wait3A_159 : memref<10000x128xf32, #tpu.memory_space<hbm>>) dst(%arg9 : memref<128x128xf32, #tpu.memory_space<vmem>>)
        "tpu.region"() ({
          %run_scoped3A = tpu.sem_alloc : memref<!tpu.dma_semaphore, #tpu.memory_space<semaphore_mem>>
          %dma_start3A_160 = arith.constant 0 : i32
          %dma_start3A_161 = tpu.memref_slice %arg8[%add3A_80, %dma_start3A_160] : memref<16x128xi32, #tpu.memory_space<vmem>> -> memref<1x128xi32, #tpu.memory_space<vmem>>
          %dma_start3A_162 = tpu.memref_squeeze %dma_start3A_161 : memref<1x128xi32, #tpu.memory_space<vmem>> -> memref<128xi32, #tpu.memory_space<vmem>>
          %dma_start3A_163 = arith.constant 0 : i32
          %dma_start3A_164 = arith.constant 0 : i32
          %dma_start3A_165 = tpu.memref_slice %arg11[%dma_start3A_163, %dma_start3A_164] : memref<10240x128xf32, #tpu.memory_space<vmem_shared>> -> memref<10240x128xf32, #tpu.memory_space<vmem_shared>>
          tpu.enqueue_indirect_dma source(%arg9 : memref<128x128xf32, #tpu.memory_space<vmem>>) target(%dma_start3A_165 : memref<10240x128xf32, #tpu.memory_space<vmem_shared>>) offsets(%dma_start3A_162 : memref<128xi32, #tpu.memory_space<vmem>>) semaphore(%run_scoped3A : memref<!tpu.dma_semaphore, #tpu.memory_space<semaphore_mem>>) {add = true}
          %dma_wait3A_166 = arith.constant 0 : i32
          %dma_wait3A_167 = tpu.memref_slice %arg8[%add3A_80, %dma_wait3A_166] : memref<16x128xi32, #tpu.memory_space<vmem>> -> memref<1x128xi32, #tpu.memory_space<vmem>>
          %dma_wait3A_168 = tpu.memref_squeeze %dma_wait3A_167 : memref<1x128xi32, #tpu.memory_space<vmem>> -> memref<128xi32, #tpu.memory_space<vmem>>
          %dma_wait3A_169 = arith.constant 0 : i32
          %dma_wait3A_170 = arith.constant 0 : i32
          %dma_wait3A_171 = tpu.memref_slice %arg11[%dma_wait3A_169, %dma_wait3A_170] : memref<10240x128xf32, #tpu.memory_space<vmem_shared>> -> memref<10240x128xf32, #tpu.memory_space<vmem_shared>>
          tpu.wait_indirect_dma semaphore(%run_scoped3A : memref<!tpu.dma_semaphore, #tpu.memory_space<semaphore_mem>>) src(%arg9 : memref<128x128xf32, #tpu.memory_space<vmem>>) dst(%dma_wait3A_171 : memref<10240x128xf32, #tpu.memory_space<vmem_shared>>)
          tpu.yield
        }) : () -> ()
      }
      %scan3A_75 = arith.constant 16 : i32
    }
    %while3A_56 = arith.constant 1 : i32
    scf.for %while3A_62 = %while3A_54 to %while3A_50 step %while3A_56  : i32 {
      %mul3A_63 = arith.muli %while3A_62, %while3A : i32
      %add3A_64 = arith.addi %while3A_47, %mul3A_63 : i32
      %mul3A_65 = arith.constant 16 : i32
      %mul3A_66 = arith.muli %add3A_64, %mul3A_65 : i32
      %add3A_67 = arith.addi %select_n3A, %mul3A_66 : i32
      "tpu.region"() ({
        %run_scoped3A = tpu.sem_alloc : memref<!tpu.dma_semaphore, #tpu.memory_space<semaphore_mem>>
        %dma_start3A = arith.constant 0 : i32
        %dma_start3A_76 = tpu.memref_slice %arg3[%add3A_67, %dma_start3A] : memref<2560x128xi32, #tpu.memory_space<hbm>> -> memref<16x128xi32, #tpu.memory_space<hbm>>
        %dma_start3A_77 = arith.constant 0 : i32
        %dma_start3A_78 = tpu.memref_slice %arg3[%add3A_67, %dma_start3A_77] : memref<2560x128xi32, #tpu.memory_space<hbm>> -> memref<16x128xi32, #tpu.memory_space<hbm>>
        tpu.enqueue_dma source(%dma_start3A_78 : memref<16x128xi32, #tpu.memory_space<hbm>>) target(%arg7 : memref<16x128xi32, #tpu.memory_space<vmem>>) target_semaphore(%run_scoped3A : memref<!tpu.dma_semaphore, #tpu.memory_space<semaphore_mem>>)
        %dma_wait3A = arith.constant 0 : i32
        %dma_wait3A_79 = tpu.memref_slice %arg3[%add3A_67, %dma_wait3A] : memref<2560x128xi32, #tpu.memory_space<hbm>> -> memref<16x128xi32, #tpu.memory_space<hbm>>
        %dma_wait3A_80 = arith.constant 0 : i32
        %dma_wait3A_81 = tpu.memref_slice %arg3[%add3A_67, %dma_wait3A_80] : memref<2560x128xi32, #tpu.memory_space<hbm>> -> memref<16x128xi32, #tpu.memory_space<hbm>>
        tpu.wait_dma2 semaphore(%run_scoped3A : memref<!tpu.dma_semaphore, #tpu.memory_space<semaphore_mem>>) src(%dma_wait3A_81 : memref<16x128xi32, #tpu.memory_space<hbm>>) dst(%arg7 : memref<16x128xi32, #tpu.memory_space<vmem>>)
        tpu.yield
      }) : () -> ()
      %mul3A_68 = arith.constant 16 : i32
      %mul3A_69 = arith.muli %add3A_64, %mul3A_68 : i32
      %add3A_70 = arith.addi %select_n3A, %mul3A_69 : i32
      "tpu.region"() ({
        %run_scoped3A = tpu.sem_alloc : memref<!tpu.dma_semaphore, #tpu.memory_space<semaphore_mem>>
        %dma_start3A = arith.constant 0 : i32
        %dma_start3A_76 = tpu.memref_slice %arg4[%add3A_70, %dma_start3A] : memref<2560x128xi32, #tpu.memory_space<hbm>> -> memref<16x128xi32, #tpu.memory_space<hbm>>
        %dma_start3A_77 = arith.constant 0 : i32
        %dma_start3A_78 = tpu.memref_slice %arg4[%add3A_70, %dma_start3A_77] : memref<2560x128xi32, #tpu.memory_space<hbm>> -> memref<16x128xi32, #tpu.memory_space<hbm>>
        tpu.enqueue_dma source(%dma_start3A_78 : memref<16x128xi32, #tpu.memory_space<hbm>>) target(%arg8 : memref<16x128xi32, #tpu.memory_space<vmem>>) target_semaphore(%run_scoped3A : memref<!tpu.dma_semaphore, #tpu.memory_space<semaphore_mem>>)
        %dma_wait3A = arith.constant 0 : i32
        %dma_wait3A_79 = tpu.memref_slice %arg4[%add3A_70, %dma_wait3A] : memref<2560x128xi32, #tpu.memory_space<hbm>> -> memref<16x128xi32, #tpu.memory_space<hbm>>
        %dma_wait3A_80 = arith.constant 0 : i32
        %dma_wait3A_81 = tpu.memref_slice %arg4[%add3A_70, %dma_wait3A_80] : memref<2560x128xi32, #tpu.memory_space<hbm>> -> memref<16x128xi32, #tpu.memory_space<hbm>>
        tpu.wait_dma2 semaphore(%run_scoped3A : memref<!tpu.dma_semaphore, #tpu.memory_space<semaphore_mem>>) src(%dma_wait3A_81 : memref<16x128xi32, #tpu.memory_space<hbm>>) dst(%arg8 : memref<16x128xi32, #tpu.memory_space<vmem>>)
        tpu.yield
      }) : () -> ()
      %scan3A_71 = arith.constant 0 : i32
      %scan3A_72 = arith.constant 16 : i32
      %scan3A_73 = arith.addi %scan3A_71, %scan3A_72 : i32
      %scan3A_74 = arith.constant 1 : i32
      scf.for %scan3A_76 = %scan3A_71 to %scan3A_73 step %scan3A_74  : i32 {
        %mul3A_77 = arith.constant 1 : i32
        %mul3A_78 = arith.muli %scan3A_76, %mul3A_77 : i32
        %add3A_79 = arith.constant 0 : i32
        %add3A_80 = arith.addi %add3A_79, %mul3A_78 : i32
        %dma_start3A = arith.constant 0 : i32
        %dma_start3A_81 = tpu.memref_slice %arg7[%add3A_80, %dma_start3A] : memref<16x128xi32, #tpu.memory_space<vmem>> -> memref<1x128xi32, #tpu.memory_space<vmem>>
        %dma_start3A_82 = tpu.memref_squeeze %dma_start3A_81 : memref<1x128xi32, #tpu.memory_space<vmem>> -> memref<128xi32, #tpu.memory_space<vmem>>
        %dma_start3A_83 = arith.constant 0 : i32
        %dma_start3A_84 = arith.constant 0 : i32
        %dma_start3A_85 = tpu.memref_slice %arg2[%dma_start3A_83, %dma_start3A_84] : memref<10000x128xf32, #tpu.memory_space<hbm>> -> memref<10000x128xf32, #tpu.memory_space<hbm>>
        tpu.enqueue_indirect_dma source(%dma_start3A_85 : memref<10000x128xf32, #tpu.memory_space<hbm>>) target(%arg9 : memref<128x128xf32, #tpu.memory_space<vmem>>) offsets(%dma_start3A_82 : memref<128xi32, #tpu.memory_space<vmem>>) semaphore(%arg12 : memref<!tpu.dma_semaphore, #tpu.memory_space<semaphore_mem>>)
        %get3A = arith.index_cast %add3A_80 : i32 to index
        %get3A_86 = arith.constant 0 : index
        %get3A_87 = tpu.vector_load %arg8[%get3A, %get3A_86] {strides = array<i32>} : memref<16x128xi32, #tpu.memory_space<vmem>>, vector<16xi32>,
        %shift_right_arithmetic3A = arith.constant 7 : i32
        %shift_right_arithmetic3A_88 = vector.broadcast %shift_right_arithmetic3A : i32 to vector<16xi32>
        %shift_right_arithmetic3A_89 = arith.shrsi %get3A_87, %shift_right_arithmetic3A_88 : vector<16xi32>
        %and3A = arith.constant 127 : i32
        %and3A_90 = vector.broadcast %and3A : i32 to vector<16xi32>
        %and3A_91 = arith.andi %get3A_87, %and3A_90 : vector<16xi32>
        tpu.vector_store_idx %arg10[%shift_right_arithmetic3A_89, %and3A_91], %broadcast_in_dim3A_2 {add = true} : memref<80x128xf32, #tpu.memory_space<vmem>>[vector<16xi32>, vector<16xi32>], vector<16xf32>,
        %get3A_92 = arith.index_cast %add3A_80 : i32 to index
        %get3A_93 = arith.constant 16 : index
        %get3A_94 = tpu.vector_load %arg8[%get3A_92, %get3A_93] {strides = array<i32>} : memref<16x128xi32, #tpu.memory_space<vmem>>, vector<16xi32>,
        %shift_right_arithmetic3A_95 = arith.constant 7 : i32
        %shift_right_arithmetic3A_96 = vector.broadcast %shift_right_arithmetic3A_95 : i32 to vector<16xi32>
        %shift_right_arithmetic3A_97 = arith.shrsi %get3A_94, %shift_right_arithmetic3A_96 : vector<16xi32>
        %and3A_98 = arith.constant 127 : i32
        %and3A_99 = vector.broadcast %and3A_98 : i32 to vector<16xi32>
        %and3A_100 = arith.andi %get3A_94, %and3A_99 : vector<16xi32>
        tpu.vector_store_idx %arg10[%shift_right_arithmetic3A_97, %and3A_100], %broadcast_in_dim3A_2 {add = true} : memref<80x128xf32, #tpu.memory_space<vmem>>[vector<16xi32>, vector<16xi32>], vector<16xf32>,
        %get3A_101 = arith.index_cast %add3A_80 : i32 to index
        %get3A_102 = arith.constant 32 : index
        %get3A_103 = tpu.vector_load %arg8[%get3A_101, %get3A_102] {strides = array<i32>} : memref<16x128xi32, #tpu.memory_space<vmem>>, vector<16xi32>,
        %shift_right_arithmetic3A_104 = arith.constant 7 : i32
        %shift_right_arithmetic3A_105 = vector.broadcast %shift_right_arithmetic3A_104 : i32 to vector<16xi32>
        %shift_right_arithmetic3A_106 = arith.shrsi %get3A_103, %shift_right_arithmetic3A_105 : vector<16xi32>
        %and3A_107 = arith.constant 127 : i32
        %and3A_108 = vector.broadcast %and3A_107 : i32 to vector<16xi32>
        %and3A_109 = arith.andi %get3A_103, %and3A_108 : vector<16xi32>
        tpu.vector_store_idx %arg10[%shift_right_arithmetic3A_106, %and3A_109], %broadcast_in_dim3A_2 {add = true} : memref<80x128xf32, #tpu.memory_space<vmem>>[vector<16xi32>, vector<16xi32>], vector<16xf32>,
        %get3A_110 = arith.index_cast %add3A_80 : i32 to index
        %get3A_111 = arith.constant 48 : index
        %get3A_112 = tpu.vector_load %arg8[%get3A_110, %get3A_111] {strides = array<i32>} : memref<16x128xi32, #tpu.memory_space<vmem>>, vector<16xi32>,
        %shift_right_arithmetic3A_113 = arith.constant 7 : i32
        %shift_right_arithmetic3A_114 = vector.broadcast %shift_right_arithmetic3A_113 : i32 to vector<16xi32>
        %shift_right_arithmetic3A_115 = arith.shrsi %get3A_112, %shift_right_arithmetic3A_114 : vector<16xi32>
        %and3A_116 = arith.constant 127 : i32
        %and3A_117 = vector.broadcast %and3A_116 : i32 to vector<16xi32>
        %and3A_118 = arith.andi %get3A_112, %and3A_117 : vector<16xi32>
        tpu.vector_store_idx %arg10[%shift_right_arithmetic3A_115, %and3A_118], %broadcast_in_dim3A_2 {add = true} : memref<80x128xf32, #tpu.memory_space<vmem>>[vector<16xi32>, vector<16xi32>], vector<16xf32>,
        %get3A_119 = arith.index_cast %add3A_80 : i32 to index
        %get3A_120 = arith.constant 64 : index
        %get3A_121 = tpu.vector_load %arg8[%get3A_119, %get3A_120] {strides = array<i32>} : memref<16x128xi32, #tpu.memory_space<vmem>>, vector<16xi32>,
        %shift_right_arithmetic3A_122 = arith.constant 7 : i32
        %shift_right_arithmetic3A_123 = vector.broadcast %shift_right_arithmetic3A_122 : i32 to vector<16xi32>
        %shift_right_arithmetic3A_124 = arith.shrsi %get3A_121, %shift_right_arithmetic3A_123 : vector<16xi32>
        %and3A_125 = arith.constant 127 : i32
        %and3A_126 = vector.broadcast %and3A_125 : i32 to vector<16xi32>
        %and3A_127 = arith.andi %get3A_121, %and3A_126 : vector<16xi32>
        tpu.vector_store_idx %arg10[%shift_right_arithmetic3A_124, %and3A_127], %broadcast_in_dim3A_2 {add = true} : memref<80x128xf32, #tpu.memory_space<vmem>>[vector<16xi32>, vector<16xi32>], vector<16xf32>,
        %get3A_128 = arith.index_cast %add3A_80 : i32 to index
        %get3A_129 = arith.constant 80 : index
        %get3A_130 = tpu.vector_load %arg8[%get3A_128, %get3A_129] {strides = array<i32>} : memref<16x128xi32, #tpu.memory_space<vmem>>, vector<16xi32>,
        %shift_right_arithmetic3A_131 = arith.constant 7 : i32
        %shift_right_arithmetic3A_132 = vector.broadcast %shift_right_arithmetic3A_131 : i32 to vector<16xi32>
        %shift_right_arithmetic3A_133 = arith.shrsi %get3A_130, %shift_right_arithmetic3A_132 : vector<16xi32>
        %and3A_134 = arith.constant 127 : i32
        %and3A_135 = vector.broadcast %and3A_134 : i32 to vector<16xi32>
        %and3A_136 = arith.andi %get3A_130, %and3A_135 : vector<16xi32>
        tpu.vector_store_idx %arg10[%shift_right_arithmetic3A_133, %and3A_136], %broadcast_in_dim3A_2 {add = true} : memref<80x128xf32, #tpu.memory_space<vmem>>[vector<16xi32>, vector<16xi32>], vector<16xf32>,
        %get3A_137 = arith.index_cast %add3A_80 : i32 to index
        %get3A_138 = arith.constant 96 : index
        %get3A_139 = tpu.vector_load %arg8[%get3A_137, %get3A_138] {strides = array<i32>} : memref<16x128xi32, #tpu.memory_space<vmem>>, vector<16xi32>,
        %shift_right_arithmetic3A_140 = arith.constant 7 : i32
        %shift_right_arithmetic3A_141 = vector.broadcast %shift_right_arithmetic3A_140 : i32 to vector<16xi32>
        %shift_right_arithmetic3A_142 = arith.shrsi %get3A_139, %shift_right_arithmetic3A_141 : vector<16xi32>
        %and3A_143 = arith.constant 127 : i32
        %and3A_144 = vector.broadcast %and3A_143 : i32 to vector<16xi32>
        %and3A_145 = arith.andi %get3A_139, %and3A_144 : vector<16xi32>
        tpu.vector_store_idx %arg10[%shift_right_arithmetic3A_142, %and3A_145], %broadcast_in_dim3A_2 {add = true} : memref<80x128xf32, #tpu.memory_space<vmem>>[vector<16xi32>, vector<16xi32>], vector<16xf32>,
        %get3A_146 = arith.index_cast %add3A_80 : i32 to index
        %get3A_147 = arith.constant 112 : index
        %get3A_148 = tpu.vector_load %arg8[%get3A_146, %get3A_147] {strides = array<i32>} : memref<16x128xi32, #tpu.memory_space<vmem>>, vector<16xi32>,
        %shift_right_arithmetic3A_149 = arith.constant 7 : i32
        %shift_right_arithmetic3A_150 = vector.broadcast %shift_right_arithmetic3A_149 : i32 to vector<16xi32>
        %shift_right_arithmetic3A_151 = arith.shrsi %get3A_148, %shift_right_arithmetic3A_150 : vector<16xi32>
        %and3A_152 = arith.constant 127 : i32
        %and3A_153 = vector.broadcast %and3A_152 : i32 to vector<16xi32>
        %and3A_154 = arith.andi %get3A_148, %and3A_153 : vector<16xi32>
        tpu.vector_store_idx %arg10[%shift_right_arithmetic3A_151, %and3A_154], %broadcast_in_dim3A_2 {add = true} : memref<80x128xf32, #tpu.memory_space<vmem>>[vector<16xi32>, vector<16xi32>], vector<16xf32>,
        %dma_wait3A = arith.constant 0 : i32
        %dma_wait3A_155 = tpu.memref_slice %arg7[%add3A_80, %dma_wait3A] : memref<16x128xi32, #tpu.memory_space<vmem>> -> memref<1x128xi32, #tpu.memory_space<vmem>>
        %dma_wait3A_156 = tpu.memref_squeeze %dma_wait3A_155 : memref<1x128xi32, #tpu.memory_space<vmem>> -> memref<128xi32, #tpu.memory_space<vmem>>
        %dma_wait3A_157 = arith.constant 0 : i32
        %dma_wait3A_158 = arith.constant 0 : i32
        %dma_wait3A_159 = tpu.memref_slice %arg2[%dma_wait3A_157, %dma_wait3A_158] : memref<10000x128xf32, #tpu.memory_space<hbm>> -> memref<10000x128xf32, #tpu.memory_space<hbm>>
        tpu.wait_indirect_dma semaphore(%arg12 : memref<!tpu.dma_semaphore, #tpu.memory_space<semaphore_mem>>) src(%dma_wait3A_159 : memref<10000x128xf32, #tpu.memory_space<hbm>>) dst(%arg9 : memref<128x128xf32, #tpu.memory_space<vmem>>)
        "tpu.region"() ({
          %run_scoped3A = tpu.sem_alloc : memref<!tpu.dma_semaphore, #tpu.memory_space<semaphore_mem>>
          %dma_start3A_160 = arith.constant 0 : i32
          %dma_start3A_161 = tpu.memref_slice %arg8[%add3A_80, %dma_start3A_160] : memref<16x128xi32, #tpu.memory_space<vmem>> -> memref<1x128xi32, #tpu.memory_space<vmem>>
          %dma_start3A_162 = tpu.memref_squeeze %dma_start3A_161 : memref<1x128xi32, #tpu.memory_space<vmem>> -> memref<128xi32, #tpu.memory_space<vmem>>
          %dma_start3A_163 = arith.constant 0 : i32
          %dma_start3A_164 = arith.constant 0 : i32
          %dma_start3A_165 = tpu.memref_slice %arg11[%dma_start3A_163, %dma_start3A_164] : memref<10240x128xf32, #tpu.memory_space<vmem_shared>> -> memref<10240x128xf32, #tpu.memory_space<vmem_shared>>
          tpu.enqueue_indirect_dma source(%arg9 : memref<128x128xf32, #tpu.memory_space<vmem>>) target(%dma_start3A_165 : memref<10240x128xf32, #tpu.memory_space<vmem_shared>>) offsets(%dma_start3A_162 : memref<128xi32, #tpu.memory_space<vmem>>) semaphore(%run_scoped3A : memref<!tpu.dma_semaphore, #tpu.memory_space<semaphore_mem>>) {add = true}
          %dma_wait3A_166 = arith.constant 0 : i32
          %dma_wait3A_167 = tpu.memref_slice %arg8[%add3A_80, %dma_wait3A_166] : memref<16x128xi32, #tpu.memory_space<vmem>> -> memref<1x128xi32, #tpu.memory_space<vmem>>
          %dma_wait3A_168 = tpu.memref_squeeze %dma_wait3A_167 : memref<1x128xi32, #tpu.memory_space<vmem>> -> memref<128xi32, #tpu.memory_space<vmem>>
          %dma_wait3A_169 = arith.constant 0 : i32
          %dma_wait3A_170 = arith.constant 0 : i32
          %dma_wait3A_171 = tpu.memref_slice %arg11[%dma_wait3A_169, %dma_wait3A_170] : memref<10240x128xf32, #tpu.memory_space<vmem_shared>> -> memref<10240x128xf32, #tpu.memory_space<vmem_shared>>
          tpu.wait_indirect_dma semaphore(%run_scoped3A : memref<!tpu.dma_semaphore, #tpu.memory_space<semaphore_mem>>) src(%arg9 : memref<128x128xf32, #tpu.memory_space<vmem>>) dst(%dma_wait3A_171 : memref<10240x128xf32, #tpu.memory_space<vmem_shared>>)
          tpu.yield
        }) : () -> ()
      }
      %scan3A_75 = arith.constant 16 : i32
    }
    %barrier3A_57 = arith.constant 0 : index
    tpu.barrier barrier_id(%barrier3A_57)
    %mul3A_58 = arith.constant 640 : i32
    %mul3A_59 = arith.muli %arg1, %mul3A_58 : i32
    %mul3A_60 = arith.constant 640 : i32
    %mul3A_61 = arith.muli %arg1, %mul3A_60 : i32
    "tpu.region"() ({
      %run_scoped3A = tpu.sem_alloc : memref<!tpu.dma_semaphore, #tpu.memory_space<semaphore_mem>>
      %dma_start3A = arith.constant 0 : i32
      %dma_start3A_62 = arith.constant 0 : i32
      %dma_start3A_63 = tpu.memref_slice %arg5[%arg0, %dma_start3A, %dma_start3A_62] : memref<2x10240x128xf32, #tpu.memory_space<hbm>> -> memref<1x10240x128xf32, #tpu.memory_space<hbm>>
      %dma_start3A_64 = tpu.memref_squeeze %dma_start3A_63 : memref<1x10240x128xf32, #tpu.memory_space<hbm>> -> memref<10240x128xf32, #tpu.memory_space<hbm>>
      %dma_start3A_65 = arith.constant 0 : i32
      %dma_start3A_66 = tpu.memref_slice %dma_start3A_64[%mul3A_61, %dma_start3A_65] : memref<10240x128xf32, #tpu.memory_space<hbm>> -> memref<640x128xf32, #tpu.memory_space<hbm>>
      %dma_start3A_67 = arith.constant 0 : i32
      %dma_start3A_68 = tpu.memref_slice %arg11[%mul3A_59, %dma_start3A_67] : memref<10240x128xf32, #tpu.memory_space<vmem_shared>> -> memref<640x128xf32, #tpu.memory_space<vmem_shared>>
      tpu.enqueue_dma source(%dma_start3A_68 : memref<640x128xf32, #tpu.memory_space<vmem_shared>>) target(%dma_start3A_66 : memref<640x128xf32, #tpu.memory_space<hbm>>) target_semaphore(%run_scoped3A : memref<!tpu.dma_semaphore, #tpu.memory_space<semaphore_mem>>)
      %dma_wait3A = arith.constant 0 : i32
      %dma_wait3A_69 = arith.constant 0 : i32
      %dma_wait3A_70 = tpu.memref_slice %arg5[%arg0, %dma_wait3A, %dma_wait3A_69] : memref<2x10240x128xf32, #tpu.memory_space<hbm>> -> memref<1x10240x128xf32, #tpu.memory_space<hbm>>
      %dma_wait3A_71 = tpu.memref_squeeze %dma_wait3A_70 : memref<1x10240x128xf32, #tpu.memory_space<hbm>> -> memref<10240x128xf32, #tpu.memory_space<hbm>>
      %dma_wait3A_72 = arith.constant 0 : i32
      %dma_wait3A_73 = tpu.memref_slice %dma_wait3A_71[%mul3A_61, %dma_wait3A_72] : memref<10240x128xf32, #tpu.memory_space<hbm>> -> memref<640x128xf32, #tpu.memory_space<hbm>>
      %dma_wait3A_74 = arith.constant 0 : i32
      %dma_wait3A_75 = tpu.memref_slice %arg11[%mul3A_59, %dma_wait3A_74] : memref<10240x128xf32, #tpu.memory_space<vmem_shared>> -> memref<640x128xf32, #tpu.memory_space<vmem_shared>>
      tpu.wait_dma2 semaphore(%run_scoped3A : memref<!tpu.dma_semaphore, #tpu.memory_space<semaphore_mem>>) src(%dma_wait3A_75 : memref<640x128xf32, #tpu.memory_space<vmem_shared>>) dst(%dma_wait3A_73 : memref<640x128xf32, #tpu.memory_space<hbm>>)
      tpu.yield
    }) : () -> ()
    "tpu.region"() ({
      %run_scoped3A = tpu.sem_alloc : memref<!tpu.dma_semaphore, #tpu.memory_space<semaphore_mem>>
      %dma_start3A = arith.constant 0 : i32
      %dma_start3A_62 = arith.constant 0 : i32
      %dma_start3A_63 = arith.constant 0 : i32
      %dma_start3A_64 = tpu.memref_slice %arg6[%arg0, %dma_start3A, %dma_start3A_62, %dma_start3A_63] : memref<2x16x80x128xf32, #tpu.memory_space<hbm>> -> memref<1x16x80x128xf32, #tpu.memory_space<hbm>>
      %dma_start3A_65 = tpu.memref_squeeze %dma_start3A_64 : memref<1x16x80x128xf32, #tpu.memory_space<hbm>> -> memref<16x80x128xf32, #tpu.memory_space<hbm>>
      %dma_start3A_66 = arith.constant 0 : i32
      %dma_start3A_67 = arith.constant 0 : i32
      %dma_start3A_68 = tpu.memref_slice %dma_start3A_65[%arg1, %dma_start3A_66, %dma_start3A_67] : memref<16x80x128xf32, #tpu.memory_space<hbm>> -> memref<1x80x128xf32, #tpu.memory_space<hbm>>
      %dma_start3A_69 = tpu.memref_squeeze %dma_start3A_68 : memref<1x80x128xf32, #tpu.memory_space<hbm>> -> memref<80x128xf32, #tpu.memory_space<hbm>>
      %dma_start3A_70 = arith.constant 0 : i32
      %dma_start3A_71 = arith.constant 0 : i32
      %dma_start3A_72 = arith.constant 0 : i32
      %dma_start3A_73 = tpu.memref_slice %arg6[%arg0, %dma_start3A_70, %dma_start3A_71, %dma_start3A_72] : memref<2x16x80x128xf32, #tpu.memory_space<hbm>> -> memref<1x16x80x128xf32, #tpu.memory_space<hbm>>
      %dma_start3A_74 = tpu.memref_squeeze %dma_start3A_73 : memref<1x16x80x128xf32, #tpu.memory_space<hbm>> -> memref<16x80x128xf32, #tpu.memory_space<hbm>>
      %dma_start3A_75 = arith.constant 0 : i32
      %dma_start3A_76 = arith.constant 0 : i32
      %dma_start3A_77 = tpu.memref_slice %dma_start3A_74[%arg1, %dma_start3A_75, %dma_start3A_76] : memref<16x80x128xf32, #tpu.memory_space<hbm>> -> memref<1x80x128xf32, #tpu.memory_space<hbm>>
      %dma_start3A_78 = tpu.memref_squeeze %dma_start3A_77 : memref<1x80x128xf32, #tpu.memory_space<hbm>> -> memref<80x128xf32, #tpu.memory_space<hbm>>
      tpu.enqueue_dma source(%arg10 : memref<80x128xf32, #tpu.memory_space<vmem>>) target(%dma_start3A_78 : memref<80x128xf32, #tpu.memory_space<hbm>>) target_semaphore(%run_scoped3A : memref<!tpu.dma_semaphore, #tpu.memory_space<semaphore_mem>>)
      %dma_wait3A = arith.constant 0 : i32
      %dma_wait3A_79 = arith.constant 0 : i32
      %dma_wait3A_80 = arith.constant 0 : i32
      %dma_wait3A_81 = tpu.memref_slice %arg6[%arg0, %dma_wait3A, %dma_wait3A_79, %dma_wait3A_80] : memref<2x16x80x128xf32, #tpu.memory_space<hbm>> -> memref<1x16x80x128xf32, #tpu.memory_space<hbm>>
      %dma_wait3A_82 = tpu.memref_squeeze %dma_wait3A_81 : memref<1x16x80x128xf32, #tpu.memory_space<hbm>> -> memref<16x80x128xf32, #tpu.memory_space<hbm>>
      %dma_wait3A_83 = arith.constant 0 : i32
      %dma_wait3A_84 = arith.constant 0 : i32
      %dma_wait3A_85 = tpu.memref_slice %dma_wait3A_82[%arg1, %dma_wait3A_83, %dma_wait3A_84] : memref<16x80x128xf32, #tpu.memory_space<hbm>> -> memref<1x80x128xf32, #tpu.memory_space<hbm>>
      %dma_wait3A_86 = tpu.memref_squeeze %dma_wait3A_85 : memref<1x80x128xf32, #tpu.memory_space<hbm>> -> memref<80x128xf32, #tpu.memory_space<hbm>>
      %dma_wait3A_87 = arith.constant 0 : i32
      %dma_wait3A_88 = arith.constant 0 : i32
      %dma_wait3A_89 = arith.constant 0 : i32
      %dma_wait3A_90 = tpu.memref_slice %arg6[%arg0, %dma_wait3A_87, %dma_wait3A_88, %dma_wait3A_89] : memref<2x16x80x128xf32, #tpu.memory_space<hbm>> -> memref<1x16x80x128xf32, #tpu.memory_space<hbm>>
      %dma_wait3A_91 = tpu.memref_squeeze %dma_wait3A_90 : memref<1x16x80x128xf32, #tpu.memory_space<hbm>> -> memref<16x80x128xf32, #tpu.memory_space<hbm>>
      %dma_wait3A_92 = arith.constant 0 : i32
      %dma_wait3A_93 = arith.constant 0 : i32
      %dma_wait3A_94 = tpu.memref_slice %dma_wait3A_91[%arg1, %dma_wait3A_92, %dma_wait3A_93] : memref<16x80x128xf32, #tpu.memory_space<hbm>> -> memref<1x80x128xf32, #tpu.memory_space<hbm>>
      %dma_wait3A_95 = tpu.memref_squeeze %dma_wait3A_94 : memref<1x80x128xf32, #tpu.memory_space<hbm>> -> memref<80x128xf32, #tpu.memory_space<hbm>>
      tpu.wait_dma2 semaphore(%run_scoped3A : memref<!tpu.dma_semaphore, #tpu.memory_space<semaphore_mem>>) src(%arg10 : memref<80x128xf32, #tpu.memory_space<vmem>>) dst(%dma_wait3A_95 : memref<80x128xf32, #tpu.memory_space<hbm>>)
      tpu.yield
    }) : () -> ()
    return
  }
}

module attributes {stable_mosaic.version = 14 : i64} {
  func.func @_tc_tail_body(%arg0: i32, %arg1: memref<2x1024x128xf32, #tpu.memory_space<vmem>>, %arg2: memref<2x16x1024xf32, #tpu.memory_space<vmem>>, %arg3: memref<128x128xf32, #tpu.memory_space<vmem>>, %arg4: memref<1x128xf32, #tpu.memory_space<vmem>>, %arg5: memref<1x128xf32, #tpu.memory_space<vmem>>, %arg6: memref<1x128xf32, #tpu.memory_space<vmem>>, %arg7: memref<128x2048xf32, #tpu.memory_space<vmem>>, %arg8: memref<1x2048xf32, #tpu.memory_space<vmem>>, %arg9: memref<128x1xf32, #tpu.memory_space<vmem>>, %arg10: memref<1x1xf32, #tpu.memory_space<vmem>>, %arg11: memref<1x2048xf32, #tpu.memory_space<vmem>>, %arg12: memref<1x1xf32, #tpu.memory_space<vmem>>, %arg13: memref<1x128xf32, #tpu.memory_space<vmem>>) attributes {dimension_semantics = [#tpu.dimension_semantics<arbitrary>], iteration_bounds = array<i64: 10>, scalar_prefetch = 0 : i64, scratch_operands = 1 : i64, tpu.core_type = #tpu.core_type<tc>, window_params = [{transform_indices = @transform_0, window_bounds = array<i64: 2, 1024, 128>}, {transform_indices = @transform_1, window_bounds = array<i64: 2, 16, 1024>}, {pipeline_mode = #tpu.pipeline_mode<synchronous>, transform_indices = @transform_2, window_bounds = array<i64: 128, 128>}, {pipeline_mode = #tpu.pipeline_mode<synchronous>, transform_indices = @transform_3, window_bounds = array<i64: 1, 128>}, {pipeline_mode = #tpu.pipeline_mode<synchronous>, transform_indices = @transform_4, window_bounds = array<i64: 1, 128>}, {pipeline_mode = #tpu.pipeline_mode<synchronous>, transform_indices = @transform_5, window_bounds = array<i64: 1, 128>}, {pipeline_mode = #tpu.pipeline_mode<synchronous>, transform_indices = @transform_6, window_bounds = array<i64: 128, 2048>}, {pipeline_mode = #tpu.pipeline_mode<synchronous>, transform_indices = @transform_7, window_bounds = array<i64: 1, 2048>}, {pipeline_mode = #tpu.pipeline_mode<synchronous>, transform_indices = @transform_8, window_bounds = array<i64: 128, 1>}, {pipeline_mode = #tpu.pipeline_mode<synchronous>, transform_indices = @transform_9, window_bounds = array<i64: 1, 1>}, {pipeline_mode = #tpu.pipeline_mode<synchronous>, transform_indices = @transform_10, window_bounds = array<i64: 1, 2048>}, {pipeline_mode = #tpu.pipeline_mode<synchronous>, transform_indices = @transform_11, window_bounds = array<i64: 1, 1>}]} {
    %get3A = arith.constant 0 : index
    %get3A_0 = arith.constant 0 : index
    %get3A_1 = arith.constant 0 : index
    %get3A_2 = vector.load %arg1[%get3A, %get3A_0, %get3A_1] : memref<2x1024x128xf32, #tpu.memory_space<vmem>>, vector<1x1024x128xf32>
    %get3A_3 = vector.shape_cast %get3A_2 : vector<1x1024x128xf32> to vector<1024x128xf32>
    %get3A_4 = arith.constant 1 : index
    %get3A_5 = arith.constant 0 : index
    %get3A_6 = arith.constant 0 : index
    %get3A_7 = vector.load %arg1[%get3A_4, %get3A_5, %get3A_6] : memref<2x1024x128xf32, #tpu.memory_space<vmem>>, vector<1x1024x128xf32>
    %get3A_8 = vector.shape_cast %get3A_7 : vector<1x1024x128xf32> to vector<1024x128xf32>
    %add3A = arith.addf %get3A_3, %get3A_8 : vector<1024x128xf32>
    %get3A_9 = arith.constant 0 : index
    %get3A_10 = arith.constant 0 : index
    %get3A_11 = arith.constant 0 : index
    %get3A_12 = vector.load %arg2[%get3A_9, %get3A_10, %get3A_11] : memref<2x16x1024xf32, #tpu.memory_space<vmem>>, vector<2x16x1024xf32>
    %reduce_sum3A = arith.constant dense<0.000000e+00> : vector<1024xf32>
    %reduce_sum3A_13 = vector.multi_reduction <add>, %get3A_12, %reduce_sum3A [0, 1] : vector<2x16x1024xf32> to vector<1024xf32>
    %reshape3A = vector.shape_cast %reduce_sum3A_13 : vector<1024xf32> to vector<1024x1xf32>
    %max3A = arith.constant 1.000000e+00 : f32
    %max3A_14 = vector.broadcast %max3A : f32 to vector<1024x1xf32>
    %max3A_15 = arith.maximumf %reshape3A, %max3A_14 : vector<1024x1xf32>
    %div3A = vector.broadcast %max3A_15 : vector<1024x1xf32> to vector<1024x128xf32>
    %div3A_16 = arith.divf %add3A, %div3A : vector<1024x128xf32>
    %get3A_17 = arith.constant 0 : index
    %get3A_18 = arith.constant 0 : index
    %get3A_19 = vector.load %arg3[%get3A_17, %get3A_18] : memref<128x128xf32, #tpu.memory_space<vmem>>, vector<128x128xf32>
    %dot_general3A = arith.constant dense<0.000000e+00> : vector<1024x128xf32>
    %dot_general3A_20 = tpu.matmul %div3A_16, %get3A_19, %dot_general3A {dimension_numbers = #tpu.dot_dimension_numbers<[1], [0], [0], [1], [0, 0, 1, 1], [], []>, transpose_lhs_hint = false} : vector<1024x128xf32>, vector<128x128xf32>, vector<1024x128xf32> -> vector<1024x128xf32>
    %get3A_21 = arith.constant 0 : index
    %get3A_22 = arith.constant 0 : index
    %get3A_23 = vector.load %arg4[%get3A_21, %get3A_22] : memref<1x128xf32, #tpu.memory_space<vmem>>, vector<1x128xf32>
    %add3A_24 = vector.broadcast %get3A_23 : vector<1x128xf32> to vector<1024x128xf32>
    %add3A_25 = arith.addf %dot_general3A_20, %add3A_24 : vector<1024x128xf32>
    %max3A_26 = arith.constant 0.000000e+00 : f32
    %max3A_27 = vector.broadcast %max3A_26 : f32 to vector<1024x128xf32>
    %max3A_28 = arith.maximumf %add3A_25, %max3A_27 : vector<1024x128xf32>
    %mul3A = arith.constant 1024 : i32
    %mul3A_29 = arith.muli %arg0, %mul3A : i32
    %iota3A = tpu.iota {dimensions = array<i32: 0>} : vector<1024x1xi32>
    %add3A_30 = vector.broadcast %mul3A_29 : i32 to vector<1024x1xi32>
    %add3A_31 = arith.addi %add3A_30, %iota3A : vector<1024x1xi32>
    %lt3A = arith.constant 10000 : i32
    %lt3A_32 = vector.broadcast %lt3A : i32 to vector<1024x1xi32>
    %lt3A_33 = arith.cmpi slt, %add3A_31, %lt3A_32 : vector<1024x1xi32>
    %jit3A = arith.constant 0.000000e+00 : f32
    %broadcast_in_dim3A = vector.shape_cast %lt3A_33 : vector<1024x1xi1> to vector<1024x1xi1>
    %broadcast_in_dim3A_34 = vector.broadcast %broadcast_in_dim3A : vector<1024x1xi1> to vector<1024x128xi1>
    %broadcast_in_dim3A_35 = vector.broadcast %jit3A : f32 to vector<1024x128xf32>
    %select_n3A = arith.select %broadcast_in_dim3A_34, %max3A_28, %broadcast_in_dim3A_35 : vector<1024x128xi1>, vector<1024x128xf32>
    %reduce_sum3A_36 = arith.constant dense<0.000000e+00> : vector<128xf32>
    %reduce_sum3A_37 = vector.multi_reduction <add>, %select_n3A, %reduce_sum3A_36 [0] : vector<1024x128xf32> to vector<128xf32>
    %broadcast_in_dim3A_38 = vector.shape_cast %reduce_sum3A_37 : vector<128xf32> to vector<1x128xf32>
    %eq3A = arith.constant 0 : i32
    %eq3A_39 = arith.cmpi eq, %arg0, %eq3A : i32
    %convert_element_type3A = arith.extui %eq3A_39 : i1 to i32
    %cond3A = arith.constant 0 : i32
    %cond3A_40 = arith.cmpi ne, %convert_element_type3A, %cond3A : i32
    scf.if %cond3A_40 {
      %swap3A = arith.constant 0 : index
      %swap3A_50 = arith.constant 0 : index
      %swap3A_51 = vector.load %arg13[%swap3A, %swap3A_50] : memref<1x128xf32, #tpu.memory_space<vmem>>, vector<1x128xf32>
      tpu.vector_store %arg13[%swap3A, %swap3A_50], %broadcast_in_dim3A_38 {strides = array<i32>} : memref<1x128xf32, #tpu.memory_space<vmem>>, vector<1x128xf32>,
    } else {
    }
    %gt3A = arith.constant 0 : i32
    %gt3A_41 = arith.cmpi sgt, %arg0, %gt3A : i32
    %convert_element_type3A_42 = arith.extui %gt3A_41 : i1 to i32
    %cond3A_43 = arith.constant 0 : i32
    %cond3A_44 = arith.cmpi ne, %convert_element_type3A_42, %cond3A_43 : i32
    scf.if %cond3A_44 {
      %get3A_50 = arith.constant 0 : index
      %get3A_51 = arith.constant 0 : index
      %get3A_52 = vector.load %arg13[%get3A_50, %get3A_51] : memref<1x128xf32, #tpu.memory_space<vmem>>, vector<1x128xf32>
      %add3A_53 = arith.addf %get3A_52, %broadcast_in_dim3A_38 : vector<1x128xf32>
      %swap3A = arith.constant 0 : index
      %swap3A_54 = arith.constant 0 : index
      %swap3A_55 = vector.load %arg13[%swap3A, %swap3A_54] : memref<1x128xf32, #tpu.memory_space<vmem>>, vector<1x128xf32>
      tpu.vector_store %arg13[%swap3A, %swap3A_54], %add3A_53 {strides = array<i32>} : memref<1x128xf32, #tpu.memory_space<vmem>>, vector<1x128xf32>,
    } else {
    }
    %eq3A_45 = arith.constant 9 : i32
    %eq3A_46 = arith.cmpi eq, %arg0, %eq3A_45 : i32
    %convert_element_type3A_47 = arith.extui %eq3A_46 : i1 to i32
    %cond3A_48 = arith.constant 0 : i32
    %cond3A_49 = arith.cmpi ne, %convert_element_type3A_47, %cond3A_48 : i32
    scf.if %cond3A_49 {
      %get3A_50 = arith.constant 0 : index
      %get3A_51 = arith.constant 0 : index
      %get3A_52 = vector.load %arg13[%get3A_50, %get3A_51] : memref<1x128xf32, #tpu.memory_space<vmem>>, vector<1x128xf32>
      %mul3A_53 = arith.constant 9.99999974E-5 : f32
      %mul3A_54 = vector.broadcast %mul3A_53 : f32 to vector<1x128xf32>
      %mul3A_55 = arith.mulf %get3A_52, %mul3A_54 : vector<1x128xf32>
      %reduce_sum3A_56 = arith.constant dense<0.000000e+00> : vector<1xf32>
      %reduce_sum3A_57 = vector.multi_reduction <add>, %mul3A_55, %reduce_sum3A_56 [1] : vector<1x128xf32> to vector<1xf32>
      %broadcast_in_dim3A_58 = vector.shape_cast %reduce_sum3A_57 : vector<1xf32> to vector<1x1xf32>
      %div3A_59 = arith.constant 1.280000e+02 : f32
      %div3A_60 = vector.broadcast %div3A_59 : f32 to vector<1x1xf32>
      %div3A_61 = arith.divf %broadcast_in_dim3A_58, %div3A_60 : vector<1x1xf32>
      %sub3A = vector.broadcast %div3A_61 : vector<1x1xf32> to vector<1x128xf32>
      %sub3A_62 = arith.subf %mul3A_55, %sub3A : vector<1x128xf32>
      %integer_pow3A = arith.mulf %sub3A_62, %sub3A_62 : vector<1x128xf32>
      %reduce_sum3A_63 = arith.constant dense<0.000000e+00> : vector<1xf32>
      %reduce_sum3A_64 = vector.multi_reduction <add>, %integer_pow3A, %reduce_sum3A_63 [1] : vector<1x128xf32> to vector<1xf32>
      %broadcast_in_dim3A_65 = vector.shape_cast %reduce_sum3A_64 : vector<1xf32> to vector<1x1xf32>
      %div3A_66 = arith.constant 1.280000e+02 : f32
      %div3A_67 = vector.broadcast %div3A_66 : f32 to vector<1x1xf32>
      %div3A_68 = arith.divf %broadcast_in_dim3A_65, %div3A_67 : vector<1x1xf32>
      %sub3A_69 = vector.broadcast %div3A_61 : vector<1x1xf32> to vector<1x128xf32>
      %sub3A_70 = arith.subf %mul3A_55, %sub3A_69 : vector<1x128xf32>
      %add3A_71 = arith.constant 9.99999974E-6 : f32
      %add3A_72 = vector.broadcast %add3A_71 : f32 to vector<1x1xf32>
      %add3A_73 = arith.addf %div3A_68, %add3A_72 : vector<1x1xf32>
      %sqrt3A = math.sqrt %add3A_73 : vector<1x1xf32>
      %div3A_74 = vector.broadcast %sqrt3A : vector<1x1xf32> to vector<1x128xf32>
      %div3A_75 = arith.divf %sub3A_70, %div3A_74 : vector<1x128xf32>
      %get3A_76 = arith.constant 0 : index
      %get3A_77 = arith.constant 0 : index
      %get3A_78 = vector.load %arg5[%get3A_76, %get3A_77] : memref<1x128xf32, #tpu.memory_space<vmem>>, vector<1x128xf32>
      %mul3A_79 = arith.mulf %div3A_75, %get3A_78 : vector<1x128xf32>
      %get3A_80 = arith.constant 0 : index
      %get3A_81 = arith.constant 0 : index
      %get3A_82 = vector.load %arg6[%get3A_80, %get3A_81] : memref<1x128xf32, #tpu.memory_space<vmem>>, vector<1x128xf32>
      %add3A_83 = arith.addf %mul3A_79, %get3A_82 : vector<1x128xf32>
      %get3A_84 = arith.constant 0 : index
      %get3A_85 = arith.constant 0 : index
      %get3A_86 = vector.load %arg7[%get3A_84, %get3A_85] : memref<128x2048xf32, #tpu.memory_space<vmem>>, vector<128x2048xf32>
      %dot_general3A_87 = arith.constant dense<0.000000e+00> : vector<1x2048xf32>
      %dot_general3A_88 = tpu.matmul %add3A_83, %get3A_86, %dot_general3A_87 {dimension_numbers = #tpu.dot_dimension_numbers<[1], [0], [0], [1], [0, 0, 1, 1], [], []>, transpose_lhs_hint = false} : vector<1x128xf32>, vector<128x2048xf32>, vector<1x2048xf32> -> vector<1x2048xf32>
      %get3A_89 = arith.constant 0 : index
      %get3A_90 = arith.constant 0 : index
      %get3A_91 = vector.load %arg8[%get3A_89, %get3A_90] : memref<1x2048xf32, #tpu.memory_space<vmem>>, vector<1x2048xf32>
      %add3A_92 = arith.addf %dot_general3A_88, %get3A_91 : vector<1x2048xf32>
      %swap3A = arith.constant 0 : index
      %swap3A_93 = arith.constant 0 : index
      %swap3A_94 = vector.load %arg11[%swap3A, %swap3A_93] : memref<1x2048xf32, #tpu.memory_space<vmem>>, vector<1x2048xf32>
      tpu.vector_store %arg11[%swap3A, %swap3A_93], %add3A_92 {strides = array<i32>} : memref<1x2048xf32, #tpu.memory_space<vmem>>, vector<1x2048xf32>,
      %get3A_95 = arith.constant 0 : index
      %get3A_96 = arith.constant 0 : index
      %get3A_97 = vector.load %arg9[%get3A_95, %get3A_96] : memref<128x1xf32, #tpu.memory_space<vmem>>, vector<128x1xf32>
      %dot_general3A_98 = arith.constant dense<0.000000e+00> : vector<1x1xf32>
      %dot_general3A_99 = tpu.matmul %add3A_83, %get3A_97, %dot_general3A_98 {dimension_numbers = #tpu.dot_dimension_numbers<[1], [0], [0], [1], [0, 0, 1, 1], [], []>, transpose_lhs_hint = false} : vector<1x128xf32>, vector<128x1xf32>, vector<1x1xf32> -> vector<1x1xf32>
      %get3A_100 = arith.constant 0 : index
      %get3A_101 = arith.constant 0 : index
      %get3A_102 = vector.load %arg10[%get3A_100, %get3A_101] : memref<1x1xf32, #tpu.memory_space<vmem>>, vector<1x1xf32>
      %add3A_103 = arith.addf %dot_general3A_99, %get3A_102 : vector<1x1xf32>
      %swap3A_104 = arith.constant 0 : index
      %swap3A_105 = arith.constant 0 : index
      %swap3A_106 = vector.load %arg12[%swap3A_104, %swap3A_105] : memref<1x1xf32, #tpu.memory_space<vmem>>, vector<1x1xf32>
      tpu.vector_store %arg12[%swap3A_104, %swap3A_105], %add3A_103 {strides = array<i32>} : memref<1x1xf32, #tpu.memory_space<vmem>>, vector<1x1xf32>,
    } else {
    }
    return
  }
  func.func @transform_0(%arg0: i32) -> (i32, i32, i32) {
    %c0_i32 = arith.constant 0 : i32
    %c0_i32_0 = arith.constant 0 : i32
    %c0_i32_1 = arith.constant 0 : i32
    return %c0_i32, %arg0, %c0_i32_0 : i32, i32, i32
  }
  func.func @transform_1(%arg0: i32) -> (i32, i32, i32) {
    %c0_i32 = arith.constant 0 : i32
    %c0_i32_0 = arith.constant 0 : i32
    %c0_i32_1 = arith.constant 0 : i32
    return %c0_i32, %c0_i32_0, %arg0 : i32, i32, i32
  }
  func.func @transform_2(%arg0: i32) -> (i32, i32) {
    %c0_i32 = arith.constant 0 : i32
    %c0_i32_0 = arith.constant 0 : i32
    %c0_i32_1 = arith.constant 0 : i32
    return %c0_i32, %c0_i32_0 : i32, i32
  }
  func.func @transform_3(%arg0: i32) -> (i32, i32) {
    %c0_i32 = arith.constant 0 : i32
    %c0_i32_0 = arith.constant 0 : i32
    %c0_i32_1 = arith.constant 0 : i32
    return %c0_i32, %c0_i32_0 : i32, i32
  }
  func.func @transform_4(%arg0: i32) -> (i32, i32) {
    %c0_i32 = arith.constant 0 : i32
    %c0_i32_0 = arith.constant 0 : i32
    %c0_i32_1 = arith.constant 0 : i32
    return %c0_i32, %c0_i32_0 : i32, i32
  }
  func.func @transform_5(%arg0: i32) -> (i32, i32) {
    %c0_i32 = arith.constant 0 : i32
    %c0_i32_0 = arith.constant 0 : i32
    %c0_i32_1 = arith.constant 0 : i32
    return %c0_i32, %c0_i32_0 : i32, i32
  }
  func.func @transform_6(%arg0: i32) -> (i32, i32) {
    %c0_i32 = arith.constant 0 : i32
    %c0_i32_0 = arith.constant 0 : i32
    %c0_i32_1 = arith.constant 0 : i32
    return %c0_i32, %c0_i32_0 : i32, i32
  }
  func.func @transform_7(%arg0: i32) -> (i32, i32) {
    %c0_i32 = arith.constant 0 : i32
    %c0_i32_0 = arith.constant 0 : i32
    %c0_i32_1 = arith.constant 0 : i32
    return %c0_i32, %c0_i32_0 : i32, i32
  }
  func.func @transform_8(%arg0: i32) -> (i32, i32) {
    %c0_i32 = arith.constant 0 : i32
    %c0_i32_0 = arith.constant 0 : i32
    %c0_i32_1 = arith.constant 0 : i32
    return %c0_i32, %c0_i32_0 : i32, i32
  }
  func.func @transform_9(%arg0: i32) -> (i32, i32) {
    %c0_i32 = arith.constant 0 : i32
    %c0_i32_0 = arith.constant 0 : i32
    %c0_i32_1 = arith.constant 0 : i32
    return %c0_i32, %c0_i32_0 : i32, i32
  }
  func.func @transform_10(%arg0: i32) -> (i32, i32) {
    %c0_i32 = arith.constant 0 : i32
    %c0_i32_0 = arith.constant 0 : i32
    %c0_i32_1 = arith.constant 0 : i32
    return %c0_i32, %c0_i32_0 : i32, i32
  }
  func.func @transform_11(%arg0: i32) -> (i32, i32) {
    %c0_i32 = arith.constant 0 : i32
    %c0_i32_0 = arith.constant 0 : i32
    %c0_i32_1 = arith.constant 0 : i32
    return %c0_i32, %c0_i32_0 : i32, i32
  }
}

</mosaic_0001>

<sc_bundles>
// kernel: kernel.4.cloned.1.call-start
scs
__scs_entry_jumppad:
0x0: {  	(pc) =	sbr.rel $0x88, $3  }
0x1: {  	(tag) =	ssettag $0x0;
	lr =	simm.s32 $0x1  }
0x2: {  	[smem:$0x3F97] =	sst lr;
	_ =	strace $0xD0000000  }
0x3: {  	_ = 	snop  }
0x4: {  	_ = 	snop  }
0x5: {  	_ = 	snop  }
0x6: {  	_ = 	snop  }
0x7: {  	_ = 	snop  }
__scs_overlays_trampoline_lowered:
0x8: {  	[smem:$0x3FA6] =	sst s0  }
0x9: {  	[smem:$0x3FA7] =	sst s1  }
0xa: {  	[smem:$0x3FA8] =	sst s2  }
0xb: {  	[smem:$0x3FA9] =	sst s3  }
0xc: {  	[smem:$0x3FAA] =	sst s4  }
0xd: {  	[smem:$0x3FAB] =	sst s5  }
0xe: {  	[smem:$0x3FAC] =	sst s6  }
0xf: {  	[smem:$0x3FAD] =	sst s7  }
0x10: {  	[smem:$0x3FAE] =	sst s8  }
0x11: {  	[smem:$0x3FAF] =	sst s9;
	s0 =	simm.s32 @!p0 $0x0  }
0x12: {  	s1 =	sld [smem:$0x3F95];
	s0 =	simm.s32 @p0 $0x1  }
0x13: {  	[smem:$0x3FB0] =	sst s0;
	s0 =	simm.s32 @!p1 $0x0  }
0x14: {  	s2 =	sld [smem:$0x3F94];
	s0 =	simm.s32 @p1 $0x1  }
0x15: {  	[smem:$0x3FB1] =	sst s0;
	s0 =	simm.s32 @!p2 $0x0  }
0x16: {  	s3 =	sld [smem:$0x3FDB];
	s0 =	simm.s32 @p2 $0x1  }
0x17: {  	s4 =	simm.s32 $0x1BF5;
	[smem:$0x3FB3] =	sst s0  }
0x18: {  	s0 =	sld [smem:$0x3F96];
	_ =	swait.ge [sflag:s4], $0x0  }
0x19: {  	s7 =	sld [smem:$0x3F97]  }
0x1a: {  	s8 =	sadd.s32 $0xFFFFE003, lr  }
0x1b: {  	s9 =	sadd.s32 $0xFFFFFEF7, lr;
	s5 =	simm.s32 $0xFFFFFFFF;
	p2 =	slt.u32 s8, $0xFFFFF086  }
0x1c: {  	p1 =	slt.u32 s9, $0xF7A;
	s5 =	simm.s32 @!p2 $0x0  }
0x1d: {  	s5 =	simm.s32 @p1 $0x1;
	p0 =	seq.s32 s7, s2  }
0x1e: {  	s7 =	smul.u32 @!p0 $0xF7A, s2;
	p2 =	seq.s32 @!p0 s5, $0x0  }
0x1f: {  	s9 =	smul.u32 $0xF7A, s1;
	s8 =	simm.s32 @!p0 $0x1BF5;
	p2 =	por !p2, p0  }
0x20: {  	[sflag:s8] =	ssyncset.s32 @!p0 $0xFFFFF086;
	s6 =	sadd.s32 @!p0 s3, s7;
	s7 =	simm.s32 @!p0 $0x108  }
0x21: {  	s3 =	sadd.s32 s3, s9;
	s6 =	sadd.s32 @!p0 $0x88, s6;
	s7 =	simm.s32 @p2 $0x1082  }
0x22: {  	[simem:s7], [sflag:s8] =	dma.local @!p0 [hbm:s6], $0xF7A  }
0x23: {  	s9 =	sor.u32 $0xD0000000, s2;
	s6 =	simm.s32 $0x108;
	_ =	swait.ge @!p0 [sflag:s8], $0x0  }
0x24: {  	s3 =	sadd.s32 $0x88, s3;
	s6 =	simm.s32 @!p1 $0x1082;
	[sflag:s4] =	ssyncset.s32 $0xFFFFF086  }
0x25: {  	[simem:s6], [sflag:s4] =	dma.local [hbm:s3], $0xF7A  }
0x26: {  	[smem:$0x3F97] =	sst s1;
	(tag) =	ssettag s2;
	_ =	strace s9  }
0x27: {  	s1 =	sld [smem:$0x3FA7]  }
0x28: {  	s2 =	sld [smem:$0x3FA8]  }
0x29: {  	s4 =	sld [smem:$0x3FAA]  }
0x2a: {  	p0 =	seq.s32 s5, $0x0;
	s5 =	sld [smem:$0x3FAB]  }
0x2b: {  	s6 =	sld [smem:$0x3FAC]  }
0x2c: {  	s7 =	sld [smem:$0x3FAD]  }
0x2d: {  	s3 =	simm.s32 $0x108;
	s8 =	sld [smem:$0x3FAE]  }
0x2e: {  	s3 =	simm.s32 @!p0 $0x1082;
	s9 =	sld [smem:$0x3FAF]  }
0x2f: {  	lr =	sadd.s32 s0, s3;
	s0 =	sld [smem:$0x3FA6]  }
0x30: {  	s3 =	sld [smem:$0x3FA9]  }
0x31: {  	[smem:$0x3FB2] =	sst s10  }
0x32: {  	s10 =	sld [smem:$0x3FB0];
	_ =	sdelay $0x3  }
0x33: {  	p0 =	seq.s32 s10, $0x1;
	s10 =	sld [smem:$0x3FB2];
	_ =	sdelay $0x3  }
0x34: {  	[smem:$0x3FB2] =	sst s10  }
0x35: {  	s10 =	sld [smem:$0x3FB1];
	_ =	sdelay $0x3  }
0x36: {  	p1 =	seq.s32 s10, $0x1;
	s10 =	sld [smem:$0x3FB2];
	_ =	sdelay $0x3  }
0x37: {  	[smem:$0x3FB2] =	sst s10  }
0x38: {  	s10 =	sld [smem:$0x3FB3]  }
0x39: {  	_ = 	snop;
	(pc) =	sbr.ind lr, $3  }
0x3a: {  	_ = 	snop  }
0x3b: {  	_ = 	snop  }
0x3c: {  	p2 =	seq.s32 s10, $0x1;
	s10 =	sld [smem:$0x3FB2]  }
0x3d: {  	_ =	shalt  }
0x3e: {  	_ =	shalt  }
0x3f: {  	_ =	shalt  }
0x40: {  	_ =	shalt  }
0x41: {  	_ =	shalt  }
0x42: {  	_ =	shalt  }
0x43: {  	_ =	shalt  }
0x44: {  	_ =	shalt  }
0x45: {  	_ =	shalt  }
0x46: {  	_ =	shalt  }
0x47: {  	_ =	shalt  }
0x48: {  	_ =	shalt  }
0x49: {  	_ =	shalt  }
0x4a: {  	_ =	shalt  }
0x4b: {  	_ =	shalt  }
0x4c: {  	_ =	shalt  }
0x4d: {  	_ =	shalt  }
0x4e: {  	_ =	shalt  }
0x4f: {  	_ =	shalt  }
0x50: {  	_ =	shalt  }
0x51: {  	_ =	shalt  }
0x52: {  	_ =	shalt  }
0x53: {  	_ =	shalt  }
0x54: {  	_ =	shalt  }
0x55: {  	_ =	shalt  }
0x56: {  	_ =	shalt  }
0x57: {  	_ =	shalt  }
0x58: {  	_ =	shalt  }
0x59: {  	_ =	shalt  }
0x5a: {  	_ =	shalt  }
0x5b: {  	_ =	shalt  }
0x5c: {  	_ =	shalt  }
0x5d: {  	_ =	shalt  }
0x5e: {  	_ =	shalt  }
0x5f: {  	_ =	shalt  }
0x60: {  	_ =	shalt  }
0x61: {  	_ =	shalt  }
0x62: {  	_ =	shalt  }
0x63: {  	_ =	shalt  }
0x64: {  	_ =	shalt  }
0x65: {  	_ =	shalt  }
0x66: {  	_ =	shalt  }
0x67: {  	_ =	shalt  }
0x68: {  	_ =	shalt  }
0x69: {  	_ =	shalt  }
0x6a: {  	_ =	shalt  }
0x6b: {  	_ =	shalt  }
0x6c: {  	_ =	shalt  }
0x6d: {  	_ =	shalt  }
0x6e: {  	_ =	shalt  }
0x6f: {  	_ =	shalt  }
0x70: {  	_ =	shalt  }
0x71: {  	_ =	shalt  }
0x72: {  	_ =	shalt  }
0x73: {  	_ =	shalt  }
0x74: {  	_ =	shalt  }
0x75: {  	_ =	shalt  }
0x76: {  	_ =	shalt  }
0x77: {  	_ =	shalt  }
0x78: {  	_ =	shalt  }
0x79: {  	_ =	shalt  }
0x7a: {  	_ =	shalt  }
0x7b: {  	_ =	shalt  }
0x7c: {  	_ =	shalt  }
0x7d: {  	_ =	shalt  }
0x7e: {  	_ =	shalt  }
0x7f: {  	_ =	shalt  }
0x80: {  	_ =	shalt  }
0x81: {  	_ =	shalt  }
0x82: {  	_ =	shalt  }
0x83: {  	_ =	shalt  }
0x84: {  	_ =	shalt  }
0x85: {  	_ =	shalt  }
0x86: {  	_ =	shalt  }
0x87: {  	_ =	shalt  }
.Lfunc_end0:
.L_simem_size_0:
called_computation_lowered:
.L_overlay_start_0:
0x88: {  	s2 =	sld [smem:$0x3FD9]  }
0x89: {  	s3 =	sld [smem:$0x3FFE];
	_ =	sdelay $0x1  }
0x8a: {  	s1 =	srdreg.scid  }
0x8b: {  	s0 =	sand.u32 $0x1, s1  }
0x8c: {  	s17 =	sshll.u32 s0, $0xA;
	s2 =	sadd.s32 s3, s2  }
0x8d: {  	s2 =	sadd.s32 s2, s17  }
0x8e: {  	[smem:$0x3FBE] =	sst s2  }
0x8f: {  	_ = 	snop  }
0x90: {  	s2 =	sld [smem:$0x3FC9];
	(tm) =	ssettm $0x1  }
0x91: {  	s18 =	sld [smem:$0x3FFB];
	_ =	sdelay $0x3  }
0x92: {  	_ =	strace s18  }
0x93: {  	s3 =	sld [smem:$0x3FFC];
	_ =	sdelay $0x3  }
0x94: {  	_ =	strace s3  }
0x95: {  	s3 =	sld [smem:$0x3FFD];
	_ =	sdelay $0x3  }
0x96: {  	_ =	strace s3  }
0x97: {  	_ =	strace $0x8FFFFFFF  }
0x98: {  	s19 =	sld [smem:$0x3FDB];
	_ =	sdelay $0x1  }
0x99: {  	s4 =	simm.s32 $_scs_section_size  }
0x9a: {  	s5 =	simm.s32 $_size__tile_overlayer_lowered;
	s6 =	simm.s32 $_tile_overlayer_lowered  }
0x9b: {  	s22 =	simm.s32 $0x1BFF;
	s21 =	sshll.u32 s6, $0x1;
	s3 =	sadd.s32 s4, s19  }
0x9c: {  	s7 =	simm.s32 $0x0;
	s20 =	sshll.u32 s5, $0x1;
	s5 =	sadd.s32 s21, s3  }
0x9d: {  	[timem:s7], [sflag:s22] =	dma.local [hbm:s5], s20  }
0x9e: {  	_ =	swait.ge [sflag:s22], s20  }
0x9f: {  	s4 =	ssub.s32 $0x0, s20;
	[sflag:s22] =	ssyncset.done $0x0  }
0xa0: {  	[sflag:s22] =	ssyncadd.s32 s4;
	_ =	sdelay $0x1  }
0xa1: {  	s23 =	simm.s32 $0x1B8B  }
0xa2: {  	_ =	swait.ge [sflag:s23], $0x1  }
0xa3: {  	[sflag:s23] =	ssyncset.done $0x0  }
0xa4: {  	s25 =	simm.s32 $0x1B8E;
	s24 =	sld [smem:$0x3FFE];
	[sflag:s23] =	ssyncadd.s32 $0xFFFFFFFF  }
0xa5: {  	s26 =	simm.s32 $execute0_lowered;
	[smem:$0x3FD2] =	sst s25  }
0xa6: {  	s5 =	sshll.u32 s26, $0x1;
	_ =	strace $0x80000046;
	[dreg:$0x1] =	wrdreg $0xFFFFFFFF  }
0xa7: {  	s28 =	simm.s32 $_size_execute0_lowered;
	s3 =	sadd.s32 s3, s5;
	[dreg:$0x0] =	wrdreg $0x0  }
0xa8: {  	s5 =	sshll.u32 s28, $0x1;
	[dreg:$0x2] =	wrdreg s3  }
0xa9: {  	[dreg:$0x3] =	wrdreg s5  }
0xaa: {  	[dreg:$0x4] =	wrdreg $0xC0  }
0xab: {  	_ =	task [dreg:s7], $0x5FFFF  }
0xac: {  	[dreg:$0x1] =	wrdreg $0xFFFFFFFF  }
0xad: {  	[dreg:$0x0] =	wrdreg $0x60  }
0xae: {  	[dreg:$0x2] =	wrdreg s2  }
0xaf: {  	[dreg:$0x3] =	wrdreg s24  }
0xb0: {  	[dreg:$0x4] =	wrdreg $0x78000  }
0xb1: {  	[dreg:$0x5] =	wrdreg $0x9  }
0xb2: {  	_ =	task.clear_ibuf [dreg:s7], $0x6FFFF;
	_ =	strace $0x90000046  }
0xb3: {  	s29 =	simm.s32 $0x9;
	_ =	strace $0x80000048  }
0xb4: {  	_ =	swait.ge [sflag:s29], $0x1  }
0xb5: {  	[sflag:s29] =	ssyncadd.s32 $0xFFFFFFFF  }
0xb6: {  	_ =	strace $0x90000048  }
0xb7: {  	_ =	sfence  }
0xb8: {  	s30 =	sld [smem:$0x0];
	_ =	sdelay $0x2  }
0xb9: {  	s31 =	sshll.u32 s1, $0xD;
	s1 =	sshrl.u32 s1, $0x2  }
0xba: {  	s3 =	sand.u32 $0x4000, s31;
	s1 =	sadd.s32 s1, s30  }
0xbb: {  	s0 =	sor.u32 s3, s0;
	s1 =	sshll.u32 s1, $0x11  }
0xbc: {  	s0 =	sor.u32 s1, s0  }
0xbd: {  	s0 =	sadd.s32 $0x8F2B, s0  }
0xbe: {  	[sflag:s0] =	ssyncadd.remote.s32 $0x1  }
0xbf: {  	_ =	sfence.sel $0xFFFF  }
0xc0: {  	[dreg:$0x0] =	wrdreg $0xFFFFFFFF;
	(pc) =	sbr.abs _section_cstart, $3  }
0xc1: {  	[dreg:$0x1] =	wrdreg $0xFFFFFFFF  }
0xc2: {  	_ =	task.clear_ibuf [dreg:s7], $0x2FFFF;
	_ =	strace $0x9FFFFFFF  }
0xc3: {  	(tm) =	ssettm $0x7FFFFFFF  }
tec
execute0_lowered:
.L_overlay_start_1:
0x0: {  	(tag) =	ssettag $0x1  }
0x1: {  	s1 =	rddreg [dreg:$0x0]  }
0x2: {  	s8 =	rddreg [dreg:$0x1]  }
0x3: {  	s2 =	rddreg [dreg:$0x2]  }
0x4: {  	s0 =	rddreg [dreg:$0x3];
	s4 =	simm.s32 $0x0  }
0x5: {  	s5 =	srdreg.scid;
	s3 =	stileid.u32;
	s17 =	simm.s32 $0x800  }
0x6: {  	s18 =	simm.s32 $0x80;
	s19 =	simm.s32 $0x5000;
	s7 =	smul.u32 $0x50000, s3  }
0x7: {  	s20 =	simm.s32 $0x1;
	[smem:$0x7FF] =	sst s4;
	s22 =	smul.u32 $0x2800, s3  }
0x8: {  	s11 =	sand.u32 $0x1, s5;
	s5 =	sadd.s32 $0xAE00, s8;
	s24 =	smul.u32 $0x500, s3  }
0x9: {  	s6 =	sadd.s32 $0xE00, s8;
	s31 =	sshll.u32 s3, $0xC;
	s9 =	smul.u32 $0x28000, s11  }
0xa: {  	s13 =	sshll.u32 s3, $0xE;
	_ =	strace $0x80000047;
	s10 =	smul.u32 $0x5000, s11  }
0xb: {  	s12 =	ssub.s32 $0x2, s11;
	p0 =	seq.s32 s11, $0x0;
	s11 =	sor.u32 $0x40000, s31  }
0xc: {  	s7 =	sshrl.u32 s7, $0x2;
	s30 =	sshrl.u32 s12, $0x1;
	s11 =	smov.u32 @p0 s13  }
0xd: {  	s13 =	simm.s32 $0x8;
	s14 =	sadd.s32 s9, s8;
	s7 =	sadd.s32 s7, s2  }
0xe: {  	s15 =	sadd.s32 s10, s8;
	s16 =	ssub.s32 s12, s30;
	s13 =	simm.s32 @!p0 $0x2  }
0xf: {  	s8 =	sadd.s32 $0x4000, s7;
	s9 =	sadd.s32 $0x8000, s7;
	s10 =	sadd.s32 $0xC000, s7  }
0x10: {  	s12 =	sadd.s32 $0x10000, s7;
	s21 =	sadd.s32 $0x1EE00, s14;
	s23 =	sadd.s32 $0x14E00, s15  }
0x11: {  	s14 =	smax.u32 s16, $0x1;
	s15 =	simm.s32 $0x1000;
	s16 =	simm.s32 $0x2  }
0x12: {  	v0 =	vimm.f32 $0.0e+00;
	v1 =	vimm.f32 $1.000000000e+00;
	s21 =	sadd.s32 s22, s21;
	s22 =	sadd.s32 s24, s23;
	s23 =	simm.s32 $0x0  }
.LBB2_1:
0x13: {  	s24 =	simm.s32 $0x0;
	s25 =	simm.s32 $0x200  }
.LBB2_2:
0x14: {  	p0 =	sne.s32 s25, $0xFE00;
	[tilespmem:s24+$0x1070] =	vst v0  }
0x15: {  	[tilespmem:s24+$0x1000] =	vst v0  }
0x16: {  	[tilespmem:s24+$0x1010] =	vst v0  }
.Ltmp0:
0x17: {  	[tilespmem:s24+$0x1020] =	vst v0;
	(pc) =	sbr.rel @p0 .LBB2_2-.Ltmp0, $4  }
0x18: {  	[tilespmem:s24+$0x1030] =	vst v0  }
0x19: {  	[tilespmem:s24+$0x1040] =	vst v0  }
0x1a: {  	[tilespmem:s24+$0x1050] =	vst v0  }
0x1b: {  	[tilespmem:s24+$0x1060] =	vst v0;
	s24 =	sshra.s32 s25, $0x2;
	s25 =	sadd.s32 $0x200, s25  }
0x1c: {  	[tilespmem:s24+$0x1070] =	vst v0  }
0x1d: {  	[tilespmem:s24+$0x1000] =	vst v0  }
0x1e: {  	[tilespmem:s24+$0x1010] =	vst v0  }
0x1f: {  	[tilespmem:s24+$0x1020] =	vst v0  }
0x20: {  	[tilespmem:s24+$0x1030] =	vst v0  }
0x21: {  	[tilespmem:s24+$0x1040] =	vst v0  }
0x22: {  	[tilespmem:s24+$0x1050] =	vst v0  }
0x23: {  	[tilespmem:s24+$0x1060] =	vst v0;
	s24 =	simm.s32 $0x0;
	s25 =	simm.s32 $0x200  }
.LBB2_4:
0x24: {  	p0 =	sne.s32 s25, $0x9E00;
	[tilespmem:s24+$0x5070] =	vst v0  }
0x25: {  	[tilespmem:s24+$0x5000] =	vst v0  }
0x26: {  	[tilespmem:s24+$0x5010] =	vst v0  }
.Ltmp1:
0x27: {  	[tilespmem:s24+$0x5020] =	vst v0;
	(pc) =	sbr.rel @p0 .LBB2_4-.Ltmp1, $4  }
0x28: {  	[tilespmem:s24+$0x5030] =	vst v0  }
0x29: {  	[tilespmem:s24+$0x5040] =	vst v0  }
0x2a: {  	[tilespmem:s24+$0x5050] =	vst v0  }
0x2b: {  	[tilespmem:s24+$0x5060] =	vst v0;
	s24 =	sshra.s32 s25, $0x2;
	s25 =	sadd.s32 $0x200, s25  }
0x2c: {  	[tilespmem:s24+$0x5070] =	vst v0  }
0x2d: {  	[tilespmem:s24+$0x5000] =	vst v0  }
0x2e: {  	[tilespmem:s24+$0x5010] =	vst v0  }
0x2f: {  	[tilespmem:s24+$0x5020] =	vst v0  }
0x30: {  	[tilespmem:s24+$0x5030] =	vst v0  }
0x31: {  	[tilespmem:s24+$0x5040] =	vst v0  }
0x32: {  	[tilespmem:s24+$0x5050] =	vst v0  }
0x33: {  	[tilespmem:s24+$0x5060] =	vst v0  }
0x34: {  	[spmem:s7] =	stream.linear.scatter [tilespmem:s15], [sflag:$0x2], $0x4000, $0x38;
	[tilespmem:$0x1B800] =	vst v63  }
0x35: {  	_ =	swait.ge [sflag:s16], $0x4000  }
0x36: {  	[sflag:s16] =	ssyncset.done $0x0  }
0x37: {  	[sflag:s16] =	ssyncadd.s32 $0xFFFFC000  }
0x38: {  	[spmem:s8] =	stream.linear.scatter [tilespmem:s15], [sflag:$0x2], $0x4000, $0x38;
	[tilespmem:$0x1B800] =	vst v63  }
0x39: {  	_ =	swait.ge [sflag:s16], $0x4000  }
0x3a: {  	[sflag:s16] =	ssyncset.done $0x0  }
0x3b: {  	[sflag:s16] =	ssyncadd.s32 $0xFFFFC000  }
0x3c: {  	[spmem:s9] =	stream.linear.scatter [tilespmem:s15], [sflag:$0x2], $0x4000, $0x38;
	[tilespmem:$0x1B800] =	vst v63  }
0x3d: {  	_ =	swait.ge [sflag:s16], $0x4000  }
0x3e: {  	[sflag:s16] =	ssyncset.done $0x0  }
0x3f: {  	[sflag:s16] =	ssyncadd.s32 $0xFFFFC000  }
0x40: {  	[spmem:s10] =	stream.linear.scatter [tilespmem:s15], [sflag:$0x2], $0x4000, $0x38;
	[tilespmem:$0x1B800] =	vst v63  }
0x41: {  	_ =	swait.ge [sflag:s16], $0x4000  }
0x42: {  	[sflag:s16] =	ssyncset.done $0x0  }
0x43: {  	[sflag:s16] =	ssyncadd.s32 $0xFFFFC000  }
0x44: {  	[spmem:s12] =	stream.linear.scatter [tilespmem:s15], [sflag:$0x2], $0x4000, $0x38;
	[tilespmem:$0x1B800] =	vst v63  }
0x45: {  	_ =	swait.ge [sflag:s16], $0x4000  }
0x46: {  	[sflag:s16] =	ssyncset.done $0x0  }
0x47: {  	[sflag:s16] =	ssyncadd.s32 $0xFFFFC000  }
0x48: {  	s24 =	simm.s32 $0x0;
	s25 =	simm.s32 $0x0;
	[bflag:$0x0] =	sbarrier.arrive $0xFFFF  }
.LBB2_6:
0x49: {  	s26 =	sshll.u32 s25, $0xB  }
0x4a: {  	s26 =	sadd.s32 s11, s26  }
0x4b: {  	s26 =	sshrl.u32 s26, $0x3  }
0x4c: {  	s28 =	sadd.s32 s5, s26  }
0x4d: {  	[tilespmem:s24], [sflag:$0x2] =	stream.linear.gather [hbm4b:s28+s24], $0x800, $0x38;
	[tilespmem:$0x1B800] =	vst v63  }
0x4e: {  	_ =	swait.ge [sflag:s16], $0x800  }
0x4f: {  	[sflag:s16] =	ssyncset.done $0x0  }
0x50: {  	s26 =	sadd.s32 s6, s26;
	[sflag:s16] =	ssyncadd.s32 $0xFFFFF800  }
0x51: {  	[tilespmem:s17], [sflag:$0x2] =	stream.linear.gather [hbm4b:s26+s24], $0x800, $0x38;
	[tilespmem:$0x1B800] =	vst v63  }
0x52: {  	_ =	swait.ge [sflag:s16], $0x800  }
0x53: {  	[sflag:s16] =	ssyncset.done $0x0  }
0x54: {  	s26 =	simm.s32 $0x0;
	[sflag:s16] =	ssyncadd.s32 $0xFFFFF800  }
.LBB2_7:
0x55: {  	s28 =	sshra.s32 s26, $0x2  }
0x56: {  	[tilespmem:s15], [sflag:$0x1] =	stream.indirect.gather [hbm4b:s1+s18], $0x80, s28, s18, $0xb8;
	[tilespmem:$0x1B800] =	vst v63  }
0x57: {  	v2 =	vld [tilespmem:s28+$0x800];
	_ =	sdelay $0x7  }
0x58: {  	[tilespmem:v2+s19+$0x0] =	vst.idx.add.f32.msk $0xffff, v1  }
0x59: {  	v2 =	vld [tilespmem:s28+$0x810];
	_ =	sdelay $0x7  }
0x5a: {  	[tilespmem:v2+s19+$0x0] =	vst.idx.add.f32.msk $0xffff, v1  }
0x5b: {  	v2 =	vld [tilespmem:s28+$0x820];
	_ =	sdelay $0x7  }
0x5c: {  	[tilespmem:v2+s19+$0x0] =	vst.idx.add.f32.msk $0xffff, v1  }
0x5d: {  	v2 =	vld [tilespmem:s28+$0x830];
	_ =	sdelay $0x7  }
0x5e: {  	[tilespmem:v2+s19+$0x0] =	vst.idx.add.f32.msk $0xffff, v1  }
0x5f: {  	v2 =	vld [tilespmem:s28+$0x840];
	_ =	sdelay $0x7  }
0x60: {  	[tilespmem:v2+s19+$0x0] =	vst.idx.add.f32.msk $0xffff, v1  }
0x61: {  	v2 =	vld [tilespmem:s28+$0x850];
	_ =	sdelay $0x7  }
0x62: {  	[tilespmem:v2+s19+$0x0] =	vst.idx.add.f32.msk $0xffff, v1  }
0x63: {  	v2 =	vld [tilespmem:s28+$0x860];
	_ =	sdelay $0x7  }
0x64: {  	[tilespmem:v2+s19+$0x0] =	vst.idx.add.f32.msk $0xffff, v1  }
0x65: {  	v2 =	vld [tilespmem:s28+$0x870];
	_ =	sdelay $0x7  }
0x66: {  	[tilespmem:v2+s19+$0x0] =	vst.idx.add.f32.msk $0xffff, v1  }
0x67: {  	_ =	swait.ge [sflag:s20], $0x4000  }
0x68: {  	p0 =	sne.s32 s26, $0x1E00;
	[sflag:s20] =	ssyncset.done $0x0  }
.Ltmp2:
0x69: {  	s28 =	sadd.s32 $0x800, s28;
	[sflag:s20] =	ssyncadd.s32 $0xFFFFC000;
	(pc) =	sbr.rel @p0 .LBB2_7-.Ltmp2, $4  }
0x6a: {  	[spmem:s2] =	stream.indirect.scatter.add.f32 [tilespmem:s15], [sflag:$0x2], $0x80, s28, s18, $0xb8;
	[tilespmem:$0x1B800] =	vst v63  }
0x6b: {  	_ =	swait.ge [sflag:s16], $0x4000  }
0x6c: {  	[sflag:s16] =	ssyncset.done $0x0  }
0x6d: {  	s26 =	sadd.s32 $0x200, s26;
	[sflag:s16] =	ssyncadd.s32 $0xFFFFC000  }
0x6e: {  	s25 =	sadd.s32 $0x1, s25  }
0x6f: {  	p0 =	sne.s32 s25, s13  }
.Ltmp3:
0x70: {  	_ = 	snop;
	(pc) =	sbr.rel @p0 .LBB2_6-.Ltmp3, $1  }
0x71: {  	_ =	sdelay $0x3  }
0x72: {  	s24 =	sshll.u32 s3, $0x6  }
0x73: {  	[bflag:$0x0] =	sbarrier.arrive $0xFFFF;
	s25 =	sshrl.u32 s7, $0x3;
	s24 =	sor.u32 $0x1C02, s24  }
0x74: {  	[hbm:s21], [sflag:s24] =	dma.local [spmem:s25], $0x2800  }
0x75: {  	s23 =	sadd.s32 $0x1, s23;
	_ =	swait.ge [sflag:s16], $0x2800  }
0x76: {  	p0 =	sne.s32 s23, s14;
	[sflag:s16] =	ssyncset.done $0x0  }
.Ltmp4:
0x77: {  	[sflag:s16] =	ssyncadd.s32 $0xFFFFD800;
	(pc) =	sbr.rel @p0 .LBB2_1-.Ltmp4, $4  }
0x78: {  	[hbm4b:s22+s4] =	stream.linear.scatter [tilespmem:s19], [sflag:$0x2], $0x2800, $0x38;
	[tilespmem:$0x1B800] =	vst v63  }
0x79: {  	_ =	swait.ge [sflag:s16], $0x2800  }
0x7a: {  	[sflag:s16] =	ssyncset.done $0x0  }
0x7b: {  	[sflag:s16] =	ssyncadd.s32 $0xFFFFD800  }
0x7c: {  	_ =	sfence.sel $0x180000  }
0x7d: {  	[bflag:$0x0] =	sbarrier.arrive $0xFFFF  }
0x7e: {  	p0 =	sne.s32 s3, $0x0;
	_ =	strace $0x90000047  }
0x7f: {  	s0 =	sadd.s32 @!p0 $0x100000, s0;
	[bflag:$0x2] =	sbarrier.arrive $0xFFFF  }
0x80: {  	[sflag:s0] =	ssyncadd.tile.s32 @!p0 $0x1;
	_ =	shalt  }
.Lfunc_end2:
_tile_overlayer_lowered:
.L_overlay_start_2:
0x81: {  	(tag) =	ssettag $0x2  }
0x82: {  	s0 =	rddreg [dreg:$0x0];
	s2 =	stileid.u32  }
0x83: {  	s1 =	rddreg [dreg:$0x1];
	p0 =	sne.s32 s2, $0x0  }
0x84: {  	s3 =	rddreg [dreg:$0x2];
	[bflag:$0x3] =	sbarrier.arrive $0xFFFF;
	s2 =	simm.s32 @!p0 $0x1C02  }
0x85: {  	[timem:s3], [sflag:s2] =	dma.local @!p0 [hbm:s0], s1  }
0x86: {  	s0 =	simm.s32 @!p0 $0x2  }
0x87: {  	_ =	swait.ge @!p0 [sflag:s0], s1  }
0x88: {  	s1 =	ssub.s32 @!p0 $0x0, s1;
	[sflag:s0] =	ssyncset.done @!p0 $0x0  }
0x89: {  	[sflag:s0] =	ssyncadd.s32 @!p0 s1  }
0x8a: {  	[bflag:$0x3] =	sbarrier.arrive $0xFFFF  }
0x8b: {  	_ =	shalt  }

</sc_bundles>
